<compile_context>
chip_gen: v7x
topology: tpu7x:2x2x1
jax: 0.10.2.dev20260603
libtpu: 0.0.44.dev20260713+nightly
codegen_flags: <defaults>
</compile_context>

<pallas_src>
import functools

import jax
import jax.numpy as jnp
from jax import lax
from jax.experimental import pallas as pl
from jax.experimental.pallas import tpu as pltpu
from jax.experimental.pallas import tpu_sc as plsc

N_SEND = 12288
N_REC = 49152
K = 4
E = N_REC * K
D = 128
EDGE_IN = 4
LIN_IN = 2 * D

NC = 2
NS = 16
NW = NC * NS
R_PER_W = N_REC // NW
CHUNK = 64
EC = CHUNK * K

N_CHUNKS = R_PER_W // CHUNK
LANES = 16


def _sc_gather_body(x_hbm, edge_index_hbm, out_hbm, idx_all, bufs0, bufs1,
                    osum0, osum1, sem_g0, sem_g1, sem_o0, sem_o1):
    bufs = (bufs0, bufs1)
    osum = (osum0, osum1)
    sem_g = (sem_g0, sem_g1)
    sem_o = (sem_o0, sem_o1)
    wid = lax.axis_index("s") * NC + lax.axis_index("c")
    base = wid * R_PER_W

    pltpu.sync_copy(edge_index_hbm.at[0, pl.ds(base * K, R_PER_W * K)],
                    idx_all)

    QS = EC // 4

    def issue_gather(c, s):
        for q in range(4):
            pltpu.async_copy(
                x_hbm.at[idx_all.at[pl.ds(c * EC + q * QS, QS)]],
                bufs[s].at[pl.ds(q * QS, QS)], sem_g[s])

    def wait_gather(s):
        for q in range(4):
            pltpu.make_async_copy(x_hbm.at[pl.ds(0, QS)],
                                  bufs[s].at[pl.ds(q * QS, QS)],
                                  sem_g[s]).wait()

    def wait_out(s):
        pltpu.make_async_copy(osum[s], out_hbm.at[pl.ds(0, CHUNK)],
                              sem_o[s]).wait()

    def reduce_k(s):
        b = bufs[s]
        o = osum[s]

        def row(r, carry):
            e = r * K
            for col in range(D // LANES):
                sl = pl.ds(col * LANES, LANES)
                o[r, sl] = ((b[e, sl] + b[e + 1, sl])
                            + (b[e + 2, sl] + b[e + 3, sl]))
            return carry

        lax.fori_loop(0, CHUNK, row, 0)

    def out_copy(c, s):
        pltpu.async_copy(osum[s], out_hbm.at[pl.ds(base + c * CHUNK, CHUNK)],
                         sem_o[s])

    issue_gather(0, 0)

    def body(i, carry):
        ca = 2 * i
        cb = 2 * i + 1
        issue_gather(cb, 1)
        wait_gather(0)

        @pl.when(i > 0)
        def _():
            wait_out(0)

        reduce_k(0)
        out_copy(ca, 0)

        @pl.when(i < N_CHUNKS // 2 - 1)
        def _():
            issue_gather(ca + 2, 0)

        wait_gather(1)

        @pl.when(i > 0)
        def _():
            wait_out(1)

        reduce_k(1)
        out_copy(cb, 1)
        return carry

    lax.fori_loop(0, N_CHUNKS // 2, body, 0)
    wait_out(0)
    wait_out(1)


@functools.cache
def _get_sc_gather():
    return pl.kernel(
        _sc_gather_body,
        out_type=jax.ShapeDtypeStruct((N_REC, D), jnp.float32),
        mesh=plsc.VectorSubcoreMesh(core_axis_name="c", subcore_axis_name="s",
                                    num_cores=NC, num_subcores=NS),
        scratch_types=[
            pltpu.VMEM((R_PER_W * K,), jnp.int32),
            pltpu.VMEM((EC, D), jnp.float32),
            pltpu.VMEM((EC, D), jnp.float32),
            pltpu.VMEM((CHUNK, D), jnp.float32),
            pltpu.VMEM((CHUNK, D), jnp.float32),
            pltpu.SemaphoreType.DMA,
            pltpu.SemaphoreType.DMA,
            pltpu.SemaphoreType.DMA,
            pltpu.SemaphoreType.DMA,
        ],
    )


R_TILE = 2048


def _tc_edge_body(eat_ref, w1e_ref, b1e_ref, w2e_ref, b2e_ref, ef_ref):
    f32 = jnp.float32
    hraw = lax.dot_general(eat_ref[...], w1e_ref[...],
                           (((0,), (0,)), ((), ())),
                           preferred_element_type=f32)
    h = jnp.maximum(hraw + b1e_ref[...], 0.0)
    h3 = h.reshape(R_TILE, K, D)
    hsum = (h3[:, 0, :] + h3[:, 1, :]) + (h3[:, 2, :] + h3[:, 3, :])
    ef_ref[...] = jnp.dot(hsum, w2e_ref[...], preferred_element_type=f32) \
        + float(K) * b2e_ref[...]


def _tc_edge_call(ea_t, W1e, b1e, W2e, b2e):
    grid = (N_REC // R_TILE,)
    full = lambda shape: pl.BlockSpec(shape, lambda i: (0,) * len(shape))
    return pl.pallas_call(
        _tc_edge_body,
        grid=grid,
        in_specs=[
            pl.BlockSpec((EDGE_IN, R_TILE * K), lambda i: (0, i)),
            full((EDGE_IN, D)),
            full((1, D)),
            full((D, D)),
            full((1, D)),
        ],
        out_specs=pl.BlockSpec((R_TILE, D), lambda i: (i, 0)),
        out_shape=jax.ShapeDtypeStruct((N_REC, D), jnp.float32),
    )(ea_t, W1e, b1e, W2e, b2e)


def _tc_final_body(xs_ref, ef_ref, w1l_ref, b1l_ref, w2l_ref, b2l_ref,
                   out_ref):
    f32 = jnp.float32
    g = jnp.maximum(
        jnp.dot(xs_ref[...], w1l_ref[0:D, :], preferred_element_type=f32)
        + jnp.dot(ef_ref[...], w1l_ref[D:LIN_IN, :],
                  preferred_element_type=f32)
        + b1l_ref[...], 0.0)
    out_ref[...] = jnp.dot(g, w2l_ref[...], preferred_element_type=f32) \
        + b2l_ref[...]


def _tc_final_call(xs, ef, W1l, b1l, W2l, b2l):
    grid = (N_REC // R_TILE,)
    full = lambda shape: pl.BlockSpec(shape, lambda i: (0,) * len(shape))
    return pl.pallas_call(
        _tc_final_body,
        grid=grid,
        in_specs=[
            pl.BlockSpec((R_TILE, D), lambda i: (i, 0)),
            pl.BlockSpec((R_TILE, D), lambda i: (i, 0)),
            full((LIN_IN, D)),
            full((1, D)),
            full((D, D)),
            full((1, D)),
        ],
        out_specs=pl.BlockSpec((R_TILE, D), lambda i: (i, 0)),
        out_shape=jax.ShapeDtypeStruct((N_REC, D), jnp.float32),
    )(xs, ef, W1l, b1l, W2l, b2l)


def kernel(x, edge_index, edge_attr, W1e, b1e, W2e, b2e, W1l, b1l, W2l, b2l):
    x2d = x.reshape(N_SEND, D)
    ea_t = edge_attr.T
    xs = _get_sc_gather()(x2d, edge_index)
    ef = _tc_edge_call(ea_t, W1e, b1e.reshape(1, D), W2e, b2e.reshape(1, D))
    out = _tc_final_call(xs, ef, W1l, b1l.reshape(1, D), W2l,
                         b2l.reshape(1, D))
    return out.reshape(1, N_REC, D)

# --- scband reference (transcript-rebuilt; emitter-appended) ---
"""Pipeline reference for scband-healup-sampler-46377056863018 (READ-ONLY COPY).

The authoritative reference and input builder live on the scoring server;
editing this copy changes nothing except your own understanding.
"""

import jax, jax.numpy as jnp
import numpy as np

N_SEND = 12288   # 12 * 32^2 (send nside=32)
N_REC = 49152    # 12 * 64^2 (rec nside=64)
K = 4            # n_edge_closest
E = N_REC * K    # 196608 edges
EDGE_IN = 4
EDGE_OUT = 128
D_NODE = 128
LIN_IN = D_NODE + EDGE_OUT  # 256
LIN_HID = 128
LIN_OUT = 128
B = 1


def setup_inputs(seed: int = 0) -> dict:
    key = jax.random.key(seed)
    ks = jax.random.split(key, 12)
    x = jax.random.normal(ks[0], (B, N_SEND, D_NODE), dtype=jnp.float32)
    # knn edge structure: each receiver node has exactly K incoming edges from senders
    senders = jax.random.randint(ks[1], (E,), 0, N_SEND, dtype=jnp.int32)
    receivers = jnp.repeat(jnp.arange(N_REC, dtype=jnp.int32), K)
    edge_index = jnp.stack([senders, receivers], axis=0)
    edge_attr = jax.random.normal(ks[2], (E, EDGE_IN), dtype=jnp.float32)
    # edge_embedder MLP params (in=4, hidden=128, out=128)
    W1e = jax.random.normal(ks[3], (EDGE_IN, EDGE_OUT), dtype=jnp.float32) * (1.0 / np.sqrt(EDGE_IN))
    b1e = jnp.zeros((EDGE_OUT,), dtype=jnp.float32)
    W2e = jax.random.normal(ks[4], (EDGE_OUT, EDGE_OUT), dtype=jnp.float32) * (1.0 / np.sqrt(EDGE_OUT))
    b2e = jnp.zeros((EDGE_OUT,), dtype=jnp.float32)
    # linear FeedForward params (in=256, hidden=128, out=128)
    W1l = jax.random.normal(ks[5], (LIN_IN, LIN_HID), dtype=jnp.float32) * (1.0 / np.sqrt(LIN_IN))
    b1l = jnp.zeros((LIN_HID,), dtype=jnp.float32)
    W2l = jax.random.normal(ks[6], (LIN_HID, LIN_OUT), dtype=jnp.float32) * (1.0 / np.sqrt(LIN_HID))
    b2l = jnp.zeros((LIN_OUT,), dtype=jnp.float32)
    return {
        'x': x, 'edge_index': edge_index, 'edge_attr': edge_attr,
        'W1e': W1e, 'b1e': b1e, 'W2e': W2e, 'b2e': b2e,
        'W1l': W1l, 'b1l': b1l, 'W2l': W2l, 'b2l': b2l,
    }


def reference(x, edge_index, edge_attr, W1e, b1e, W2e, b2e, W1l, b1l, W2l, b2l):
    # edge_embedder: 2-layer MLP with ReLU
    h = jnp.maximum(edge_attr @ W1e + b1e, 0.0)
    edge_features = h @ W2e + b2e                     # [E, EDGE_OUT]
    send = edge_index[0]
    rec = edge_index[1]
    # gather sender node features per edge
    v_s = x[:, send, :]                               # [B, E, D_NODE]
    ef = jnp.broadcast_to(edge_features[None, :, :], (x.shape[0], edge_features.shape[0], edge_features.shape[1]))
    v_s_prime = jnp.concatenate([v_s, ef], axis=-1)   # [B, E, LIN_IN]
    # scatter_sum over receiver index (dim=1)
    v_m_sum = jnp.zeros((x.shape[0], N_REC, v_s_prime.shape[-1]), dtype=v_s_prime.dtype)
    v_m_sum = v_m_sum.at[:, rec, :].add(v_s_prime)    # [B, N_REC, LIN_IN]
    # linear FeedForward: 2-layer MLP with ReLU
    g = jnp.maximum(v_m_sum @ W1l + b1l, 0.0)
    out = g @ W2l + b2l                               # [B, N_REC, LIN_OUT]
    return out

if __name__ == "__main__":
    import jax
    _d = setup_inputs()
    print(jax.jit(kernel)(*tuple(_d.values())))

</pallas_src>

<mosaic_0001>
#map = affine_map<(d0, d1) -> (0, 0)>
module attributes {stable_mosaic.version = 14 : i64} {
  func.func @_sc_gather_body(%arg0: i32, %arg1: i32, %arg2: memref<12288x128xf32, #tpu.memory_space<hbm>>, %arg3: memref<2x196608xi32, #tpu.memory_space<hbm>>, %arg4: memref<49152x128xf32, #tpu.memory_space<hbm>>, %arg5: memref<6144xi32, #tpu.memory_space<vmem>>, %arg6: memref<256x128xf32, #tpu.memory_space<vmem>>, %arg7: memref<256x128xf32, #tpu.memory_space<vmem>>, %arg8: memref<64x128xf32, #tpu.memory_space<vmem>>, %arg9: memref<64x128xf32, #tpu.memory_space<vmem>>, %arg10: memref<!tpu.dma_semaphore, #tpu.memory_space<semaphore_mem>>, %arg11: memref<!tpu.dma_semaphore, #tpu.memory_space<semaphore_mem>>, %arg12: memref<!tpu.dma_semaphore, #tpu.memory_space<semaphore_mem>>, %arg13: memref<!tpu.dma_semaphore, #tpu.memory_space<semaphore_mem>>) attributes {dimension_semantics = [#tpu.dimension_semantics<core_parallel>, #tpu.dimension_semantics<subcore_parallel>], iteration_bounds = array<i64: 2, 16>, scalar_prefetch = 0 : i64, scratch_operands = 9 : i64, tpu.core_type = #tpu.core_type<sc_vector_subcore>, window_params = [{transform_indices = #map}, {transform_indices = #map}, {transform_indices = #map}]} {
    %mul3A = arith.constant 2 : i32
    %mul3A_0 = arith.muli %arg1, %mul3A : i32
    %add3A = arith.addi %mul3A_0, %arg0 : i32
    %mul3A_1 = arith.constant 1536 : i32
    %mul3A_2 = arith.muli %add3A, %mul3A_1 : i32
    %mul3A_3 = arith.constant 4 : i32
    %mul3A_4 = arith.muli %mul3A_2, %mul3A_3 : i32
    %run_scoped3A = arith.constant 0 : i32
    "tpu.region"() ({
      %run_scoped3A_52 = tpu.sem_alloc : memref<!tpu.dma_semaphore, #tpu.memory_space<semaphore_mem>>
      %dma_start3A_53 = tpu.memref_slice %arg3[%run_scoped3A, %mul3A_4] : memref<2x196608xi32, #tpu.memory_space<hbm>> -> memref<1x6144xi32, #tpu.memory_space<hbm>>
      %dma_start3A_54 = tpu.memref_squeeze %dma_start3A_53 : memref<1x6144xi32, #tpu.memory_space<hbm>> -> memref<6144xi32, #tpu.memory_space<hbm>>
      %dma_start3A_55 = tpu.memref_slice %arg3[%run_scoped3A, %mul3A_4] : memref<2x196608xi32, #tpu.memory_space<hbm>> -> memref<1x6144xi32, #tpu.memory_space<hbm>>
      %dma_start3A_56 = tpu.memref_squeeze %dma_start3A_55 : memref<1x6144xi32, #tpu.memory_space<hbm>> -> memref<6144xi32, #tpu.memory_space<hbm>>
      tpu.enqueue_dma source(%dma_start3A_56 : memref<6144xi32, #tpu.memory_space<hbm>>) target(%arg5 : memref<6144xi32, #tpu.memory_space<vmem>>) target_semaphore(%run_scoped3A_52 : memref<!tpu.dma_semaphore, #tpu.memory_space<semaphore_mem>>)
      %dma_wait3A_57 = tpu.memref_slice %arg3[%run_scoped3A, %mul3A_4] : memref<2x196608xi32, #tpu.memory_space<hbm>> -> memref<1x6144xi32, #tpu.memory_space<hbm>>
      %dma_wait3A_58 = tpu.memref_squeeze %dma_wait3A_57 : memref<1x6144xi32, #tpu.memory_space<hbm>> -> memref<6144xi32, #tpu.memory_space<hbm>>
      %dma_wait3A_59 = tpu.memref_slice %arg3[%run_scoped3A, %mul3A_4] : memref<2x196608xi32, #tpu.memory_space<hbm>> -> memref<1x6144xi32, #tpu.memory_space<hbm>>
      %dma_wait3A_60 = tpu.memref_squeeze %dma_wait3A_59 : memref<1x6144xi32, #tpu.memory_space<hbm>> -> memref<6144xi32, #tpu.memory_space<hbm>>
      tpu.wait_dma2 semaphore(%run_scoped3A_52 : memref<!tpu.dma_semaphore, #tpu.memory_space<semaphore_mem>>) src(%dma_wait3A_60 : memref<6144xi32, #tpu.memory_space<hbm>>) dst(%arg5 : memref<6144xi32, #tpu.memory_space<vmem>>)
      tpu.yield
    }) : () -> ()
    %dma_start3A = arith.constant 0 : i32
    %dma_start3A_5 = arith.constant 0 : i32
    %dma_start3A_6 = tpu.memref_slice %arg6[%dma_start3A, %dma_start3A_5] : memref<256x128xf32, #tpu.memory_space<vmem>> -> memref<64x128xf32, #tpu.memory_space<vmem>>
    %dma_start3A_7 = arith.constant 0 : i32
    %dma_start3A_8 = tpu.memref_slice %arg5[%dma_start3A_7] : memref<6144xi32, #tpu.memory_space<vmem>> -> memref<64xi32, #tpu.memory_space<vmem>>
    %dma_start3A_9 = arith.constant 0 : i32
    %dma_start3A_10 = arith.constant 0 : i32
    %dma_start3A_11 = tpu.memref_slice %arg2[%dma_start3A_9, %dma_start3A_10] : memref<12288x128xf32, #tpu.memory_space<hbm>> -> memref<12288x128xf32, #tpu.memory_space<hbm>>
    tpu.enqueue_indirect_dma source(%dma_start3A_11 : memref<12288x128xf32, #tpu.memory_space<hbm>>) target(%dma_start3A_6 : memref<64x128xf32, #tpu.memory_space<vmem>>) offsets(%dma_start3A_8 : memref<64xi32, #tpu.memory_space<vmem>>) semaphore(%arg10 : memref<!tpu.dma_semaphore, #tpu.memory_space<semaphore_mem>>)
    %dma_start3A_12 = arith.constant 64 : i32
    %dma_start3A_13 = arith.constant 0 : i32
    %dma_start3A_14 = tpu.memref_slice %arg6[%dma_start3A_12, %dma_start3A_13] : memref<256x128xf32, #tpu.memory_space<vmem>> -> memref<64x128xf32, #tpu.memory_space<vmem>>
    %dma_start3A_15 = arith.constant 64 : i32
    %dma_start3A_16 = tpu.memref_slice %arg5[%dma_start3A_15] : memref<6144xi32, #tpu.memory_space<vmem>> -> memref<64xi32, #tpu.memory_space<vmem>>
    %dma_start3A_17 = arith.constant 0 : i32
    %dma_start3A_18 = arith.constant 0 : i32
    %dma_start3A_19 = tpu.memref_slice %arg2[%dma_start3A_17, %dma_start3A_18] : memref<12288x128xf32, #tpu.memory_space<hbm>> -> memref<12288x128xf32, #tpu.memory_space<hbm>>
    tpu.enqueue_indirect_dma source(%dma_start3A_19 : memref<12288x128xf32, #tpu.memory_space<hbm>>) target(%dma_start3A_14 : memref<64x128xf32, #tpu.memory_space<vmem>>) offsets(%dma_start3A_16 : memref<64xi32, #tpu.memory_space<vmem>>) semaphore(%arg10 : memref<!tpu.dma_semaphore, #tpu.memory_space<semaphore_mem>>)
    %dma_start3A_20 = arith.constant 128 : i32
    %dma_start3A_21 = arith.constant 0 : i32
    %dma_start3A_22 = tpu.memref_slice %arg6[%dma_start3A_20, %dma_start3A_21] : memref<256x128xf32, #tpu.memory_space<vmem>> -> memref<64x128xf32, #tpu.memory_space<vmem>>
    %dma_start3A_23 = arith.constant 128 : i32
    %dma_start3A_24 = tpu.memref_slice %arg5[%dma_start3A_23] : memref<6144xi32, #tpu.memory_space<vmem>> -> memref<64xi32, #tpu.memory_space<vmem>>
    %dma_start3A_25 = arith.constant 0 : i32
    %dma_start3A_26 = arith.constant 0 : i32
    %dma_start3A_27 = tpu.memref_slice %arg2[%dma_start3A_25, %dma_start3A_26] : memref<12288x128xf32, #tpu.memory_space<hbm>> -> memref<12288x128xf32, #tpu.memory_space<hbm>>
    tpu.enqueue_indirect_dma source(%dma_start3A_27 : memref<12288x128xf32, #tpu.memory_space<hbm>>) target(%dma_start3A_22 : memref<64x128xf32, #tpu.memory_space<vmem>>) offsets(%dma_start3A_24 : memref<64xi32, #tpu.memory_space<vmem>>) semaphore(%arg10 : memref<!tpu.dma_semaphore, #tpu.memory_space<semaphore_mem>>)
    %dma_start3A_28 = arith.constant 192 : i32
    %dma_start3A_29 = arith.constant 0 : i32
    %dma_start3A_30 = tpu.memref_slice %arg6[%dma_start3A_28, %dma_start3A_29] : memref<256x128xf32, #tpu.memory_space<vmem>> -> memref<64x128xf32, #tpu.memory_space<vmem>>
    %dma_start3A_31 = arith.constant 192 : i32
    %dma_start3A_32 = tpu.memref_slice %arg5[%dma_start3A_31] : memref<6144xi32, #tpu.memory_space<vmem>> -> memref<64xi32, #tpu.memory_space<vmem>>
    %dma_start3A_33 = arith.constant 0 : i32
    %dma_start3A_34 = arith.constant 0 : i32
    %dma_start3A_35 = tpu.memref_slice %arg2[%dma_start3A_33, %dma_start3A_34] : memref<12288x128xf32, #tpu.memory_space<hbm>> -> memref<12288x128xf32, #tpu.memory_space<hbm>>
    tpu.enqueue_indirect_dma source(%dma_start3A_35 : memref<12288x128xf32, #tpu.memory_space<hbm>>) target(%dma_start3A_30 : memref<64x128xf32, #tpu.memory_space<vmem>>) offsets(%dma_start3A_32 : memref<64xi32, #tpu.memory_space<vmem>>) semaphore(%arg10 : memref<!tpu.dma_semaphore, #tpu.memory_space<semaphore_mem>>)
    %scan3A = arith.constant 0 : i32
    %scan3A_36 = arith.constant 0 : i32
    %scan3A_37 = arith.constant 12 : i32
    %scan3A_38 = arith.addi %scan3A_36, %scan3A_37 : i32
    %scan3A_39 = arith.constant 1 : i32
    scf.for %scan3A_52 = %scan3A_36 to %scan3A_38 step %scan3A_39  : i32 {
      %mul3A_53 = arith.constant 2 : i32
      %mul3A_54 = arith.muli %mul3A_53, %scan3A_52 : i32
      %mul3A_55 = arith.constant 2 : i32
      %mul3A_56 = arith.muli %mul3A_55, %scan3A_52 : i32
      %add3A_57 = arith.constant 1 : i32
      %add3A_58 = arith.addi %mul3A_56, %add3A_57 : i32
      %mul3A_59 = arith.constant 256 : i32
      %mul3A_60 = arith.muli %add3A_58, %mul3A_59 : i32
      %add3A_61 = arith.constant 0 : i32
      %add3A_62 = arith.addi %mul3A_60, %add3A_61 : i32
      %dma_start3A_63 = arith.constant 0 : i32
      %dma_start3A_64 = arith.constant 0 : i32
      %dma_start3A_65 = tpu.memref_slice %arg7[%dma_start3A_63, %dma_start3A_64] : memref<256x128xf32, #tpu.memory_space<vmem>> -> memref<64x128xf32, #tpu.memory_space<vmem>>
      %dma_start3A_66 = tpu.memref_slice %arg5[%add3A_62] : memref<6144xi32, #tpu.memory_space<vmem>> -> memref<64xi32, #tpu.memory_space<vmem>>
      %dma_start3A_67 = arith.constant 0 : i32
      %dma_start3A_68 = arith.constant 0 : i32
      %dma_start3A_69 = tpu.memref_slice %arg2[%dma_start3A_67, %dma_start3A_68] : memref<12288x128xf32, #tpu.memory_space<hbm>> -> memref<12288x128xf32, #tpu.memory_space<hbm>>
      tpu.enqueue_indirect_dma source(%dma_start3A_69 : memref<12288x128xf32, #tpu.memory_space<hbm>>) target(%dma_start3A_65 : memref<64x128xf32, #tpu.memory_space<vmem>>) offsets(%dma_start3A_66 : memref<64xi32, #tpu.memory_space<vmem>>) semaphore(%arg11 : memref<!tpu.dma_semaphore, #tpu.memory_space<semaphore_mem>>)
      %mul3A_70 = arith.constant 256 : i32
      %mul3A_71 = arith.muli %add3A_58, %mul3A_70 : i32
      %add3A_72 = arith.constant 64 : i32
      %add3A_73 = arith.addi %mul3A_71, %add3A_72 : i32
      %dma_start3A_74 = arith.constant 64 : i32
      %dma_start3A_75 = arith.constant 0 : i32
      %dma_start3A_76 = tpu.memref_slice %arg7[%dma_start3A_74, %dma_start3A_75] : memref<256x128xf32, #tpu.memory_space<vmem>> -> memref<64x128xf32, #tpu.memory_space<vmem>>
      %dma_start3A_77 = tpu.memref_slice %arg5[%add3A_73] : memref<6144xi32, #tpu.memory_space<vmem>> -> memref<64xi32, #tpu.memory_space<vmem>>
      %dma_start3A_78 = arith.constant 0 : i32
      %dma_start3A_79 = arith.constant 0 : i32
      %dma_start3A_80 = tpu.memref_slice %arg2[%dma_start3A_78, %dma_start3A_79] : memref<12288x128xf32, #tpu.memory_space<hbm>> -> memref<12288x128xf32, #tpu.memory_space<hbm>>
      tpu.enqueue_indirect_dma source(%dma_start3A_80 : memref<12288x128xf32, #tpu.memory_space<hbm>>) target(%dma_start3A_76 : memref<64x128xf32, #tpu.memory_space<vmem>>) offsets(%dma_start3A_77 : memref<64xi32, #tpu.memory_space<vmem>>) semaphore(%arg11 : memref<!tpu.dma_semaphore, #tpu.memory_space<semaphore_mem>>)
      %mul3A_81 = arith.constant 256 : i32
      %mul3A_82 = arith.muli %add3A_58, %mul3A_81 : i32
      %add3A_83 = arith.constant 128 : i32
      %add3A_84 = arith.addi %mul3A_82, %add3A_83 : i32
      %dma_start3A_85 = arith.constant 128 : i32
      %dma_start3A_86 = arith.constant 0 : i32
      %dma_start3A_87 = tpu.memref_slice %arg7[%dma_start3A_85, %dma_start3A_86] : memref<256x128xf32, #tpu.memory_space<vmem>> -> memref<64x128xf32, #tpu.memory_space<vmem>>
      %dma_start3A_88 = tpu.memref_slice %arg5[%add3A_84] : memref<6144xi32, #tpu.memory_space<vmem>> -> memref<64xi32, #tpu.memory_space<vmem>>
      %dma_start3A_89 = arith.constant 0 : i32
      %dma_start3A_90 = arith.constant 0 : i32
      %dma_start3A_91 = tpu.memref_slice %arg2[%dma_start3A_89, %dma_start3A_90] : memref<12288x128xf32, #tpu.memory_space<hbm>> -> memref<12288x128xf32, #tpu.memory_space<hbm>>
      tpu.enqueue_indirect_dma source(%dma_start3A_91 : memref<12288x128xf32, #tpu.memory_space<hbm>>) target(%dma_start3A_87 : memref<64x128xf32, #tpu.memory_space<vmem>>) offsets(%dma_start3A_88 : memref<64xi32, #tpu.memory_space<vmem>>) semaphore(%arg11 : memref<!tpu.dma_semaphore, #tpu.memory_space<semaphore_mem>>)
      %mul3A_92 = arith.constant 256 : i32
      %mul3A_93 = arith.muli %add3A_58, %mul3A_92 : i32
      %add3A_94 = arith.constant 192 : i32
      %add3A_95 = arith.addi %mul3A_93, %add3A_94 : i32
      %dma_start3A_96 = arith.constant 192 : i32
      %dma_start3A_97 = arith.constant 0 : i32
      %dma_start3A_98 = tpu.memref_slice %arg7[%dma_start3A_96, %dma_start3A_97] : memref<256x128xf32, #tpu.memory_space<vmem>> -> memref<64x128xf32, #tpu.memory_space<vmem>>
      %dma_start3A_99 = tpu.memref_slice %arg5[%add3A_95] : memref<6144xi32, #tpu.memory_space<vmem>> -> memref<64xi32, #tpu.memory_space<vmem>>
      %dma_start3A_100 = arith.constant 0 : i32
      %dma_start3A_101 = arith.constant 0 : i32
      %dma_start3A_102 = tpu.memref_slice %arg2[%dma_start3A_100, %dma_start3A_101] : memref<12288x128xf32, #tpu.memory_space<hbm>> -> memref<12288x128xf32, #tpu.memory_space<hbm>>
      tpu.enqueue_indirect_dma source(%dma_start3A_102 : memref<12288x128xf32, #tpu.memory_space<hbm>>) target(%dma_start3A_98 : memref<64x128xf32, #tpu.memory_space<vmem>>) offsets(%dma_start3A_99 : memref<64xi32, #tpu.memory_space<vmem>>) semaphore(%arg11 : memref<!tpu.dma_semaphore, #tpu.memory_space<semaphore_mem>>)
      %dma_wait3A_103 = arith.constant 0 : i32
      %dma_wait3A_104 = arith.constant 0 : i32
      %dma_wait3A_105 = tpu.memref_slice %arg6[%dma_wait3A_103, %dma_wait3A_104] : memref<256x128xf32, #tpu.memory_space<vmem>> -> memref<64x128xf32, #tpu.memory_space<vmem>>
      %dma_wait3A_106 = arith.constant 0 : i32
      %dma_wait3A_107 = arith.constant 0 : i32
      %dma_wait3A_108 = tpu.memref_slice %arg2[%dma_wait3A_106, %dma_wait3A_107] : memref<12288x128xf32, #tpu.memory_space<hbm>> -> memref<64x128xf32, #tpu.memory_space<hbm>>
      %dma_wait3A_109 = arith.constant 0 : i32
      %dma_wait3A_110 = arith.constant 0 : i32
      %dma_wait3A_111 = tpu.memref_slice %arg6[%dma_wait3A_109, %dma_wait3A_110] : memref<256x128xf32, #tpu.memory_space<vmem>> -> memref<64x128xf32, #tpu.memory_space<vmem>>
      %dma_wait3A_112 = arith.constant 0 : i32
      %dma_wait3A_113 = arith.constant 0 : i32
      %dma_wait3A_114 = tpu.memref_slice %arg2[%dma_wait3A_112, %dma_wait3A_113] : memref<12288x128xf32, #tpu.memory_space<hbm>> -> memref<64x128xf32, #tpu.memory_space<hbm>>
      tpu.wait_dma2 semaphore(%arg10 : memref<!tpu.dma_semaphore, #tpu.memory_space<semaphore_mem>>) src(%dma_wait3A_114 : memref<64x128xf32, #tpu.memory_space<hbm>>) dst(%dma_wait3A_111 : memref<64x128xf32, #tpu.memory_space<vmem>>)
      %dma_wait3A_115 = arith.constant 64 : i32
      %dma_wait3A_116 = arith.constant 0 : i32
      %dma_wait3A_117 = tpu.memref_slice %arg6[%dma_wait3A_115, %dma_wait3A_116] : memref<256x128xf32, #tpu.memory_space<vmem>> -> memref<64x128xf32, #tpu.memory_space<vmem>>
      %dma_wait3A_118 = arith.constant 0 : i32
      %dma_wait3A_119 = arith.constant 0 : i32
      %dma_wait3A_120 = tpu.memref_slice %arg2[%dma_wait3A_118, %dma_wait3A_119] : memref<12288x128xf32, #tpu.memory_space<hbm>> -> memref<64x128xf32, #tpu.memory_space<hbm>>
      %dma_wait3A_121 = arith.constant 64 : i32
      %dma_wait3A_122 = arith.constant 0 : i32
      %dma_wait3A_123 = tpu.memref_slice %arg6[%dma_wait3A_121, %dma_wait3A_122] : memref<256x128xf32, #tpu.memory_space<vmem>> -> memref<64x128xf32, #tpu.memory_space<vmem>>
      %dma_wait3A_124 = arith.constant 0 : i32
      %dma_wait3A_125 = arith.constant 0 : i32
      %dma_wait3A_126 = tpu.memref_slice %arg2[%dma_wait3A_124, %dma_wait3A_125] : memref<12288x128xf32, #tpu.memory_space<hbm>> -> memref<64x128xf32, #tpu.memory_space<hbm>>
      tpu.wait_dma2 semaphore(%arg10 : memref<!tpu.dma_semaphore, #tpu.memory_space<semaphore_mem>>) src(%dma_wait3A_126 : memref<64x128xf32, #tpu.memory_space<hbm>>) dst(%dma_wait3A_123 : memref<64x128xf32, #tpu.memory_space<vmem>>)
      %dma_wait3A_127 = arith.constant 128 : i32
      %dma_wait3A_128 = arith.constant 0 : i32
      %dma_wait3A_129 = tpu.memref_slice %arg6[%dma_wait3A_127, %dma_wait3A_128] : memref<256x128xf32, #tpu.memory_space<vmem>> -> memref<64x128xf32, #tpu.memory_space<vmem>>
      %dma_wait3A_130 = arith.constant 0 : i32
      %dma_wait3A_131 = arith.constant 0 : i32
      %dma_wait3A_132 = tpu.memref_slice %arg2[%dma_wait3A_130, %dma_wait3A_131] : memref<12288x128xf32, #tpu.memory_space<hbm>> -> memref<64x128xf32, #tpu.memory_space<hbm>>
      %dma_wait3A_133 = arith.constant 128 : i32
      %dma_wait3A_134 = arith.constant 0 : i32
      %dma_wait3A_135 = tpu.memref_slice %arg6[%dma_wait3A_133, %dma_wait3A_134] : memref<256x128xf32, #tpu.memory_space<vmem>> -> memref<64x128xf32, #tpu.memory_space<vmem>>
      %dma_wait3A_136 = arith.constant 0 : i32
      %dma_wait3A_137 = arith.constant 0 : i32
      %dma_wait3A_138 = tpu.memref_slice %arg2[%dma_wait3A_136, %dma_wait3A_137] : memref<12288x128xf32, #tpu.memory_space<hbm>> -> memref<64x128xf32, #tpu.memory_space<hbm>>
      tpu.wait_dma2 semaphore(%arg10 : memref<!tpu.dma_semaphore, #tpu.memory_space<semaphore_mem>>) src(%dma_wait3A_138 : memref<64x128xf32, #tpu.memory_space<hbm>>) dst(%dma_wait3A_135 : memref<64x128xf32, #tpu.memory_space<vmem>>)
      %dma_wait3A_139 = arith.constant 192 : i32
      %dma_wait3A_140 = arith.constant 0 : i32
      %dma_wait3A_141 = tpu.memref_slice %arg6[%dma_wait3A_139, %dma_wait3A_140] : memref<256x128xf32, #tpu.memory_space<vmem>> -> memref<64x128xf32, #tpu.memory_space<vmem>>
      %dma_wait3A_142 = arith.constant 0 : i32
      %dma_wait3A_143 = arith.constant 0 : i32
      %dma_wait3A_144 = tpu.memref_slice %arg2[%dma_wait3A_142, %dma_wait3A_143] : memref<12288x128xf32, #tpu.memory_space<hbm>> -> memref<64x128xf32, #tpu.memory_space<hbm>>
      %dma_wait3A_145 = arith.constant 192 : i32
      %dma_wait3A_146 = arith.constant 0 : i32
      %dma_wait3A_147 = tpu.memref_slice %arg6[%dma_wait3A_145, %dma_wait3A_146] : memref<256x128xf32, #tpu.memory_space<vmem>> -> memref<64x128xf32, #tpu.memory_space<vmem>>
      %dma_wait3A_148 = arith.constant 0 : i32
      %dma_wait3A_149 = arith.constant 0 : i32
      %dma_wait3A_150 = tpu.memref_slice %arg2[%dma_wait3A_148, %dma_wait3A_149] : memref<12288x128xf32, #tpu.memory_space<hbm>> -> memref<64x128xf32, #tpu.memory_space<hbm>>
      tpu.wait_dma2 semaphore(%arg10 : memref<!tpu.dma_semaphore, #tpu.memory_space<semaphore_mem>>) src(%dma_wait3A_150 : memref<64x128xf32, #tpu.memory_space<hbm>>) dst(%dma_wait3A_147 : memref<64x128xf32, #tpu.memory_space<vmem>>)
      %gt3A = arith.constant 0 : i32
      %gt3A_151 = arith.cmpi sgt, %scan3A_52, %gt3A : i32
      %convert_element_type3A = arith.extui %gt3A_151 : i1 to i32
      %cond3A = arith.constant 0 : i32
      %cond3A_152 = arith.cmpi ne, %convert_element_type3A, %cond3A : i32
      scf.if %cond3A_152 {
        %dma_wait3A_236 = arith.constant 0 : i32
        %dma_wait3A_237 = arith.constant 0 : i32
        %dma_wait3A_238 = tpu.memref_slice %arg4[%dma_wait3A_236, %dma_wait3A_237] : memref<49152x128xf32, #tpu.memory_space<hbm>> -> memref<64x128xf32, #tpu.memory_space<hbm>>
        %dma_wait3A_239 = arith.constant 0 : i32
        %dma_wait3A_240 = arith.constant 0 : i32
        %dma_wait3A_241 = tpu.memref_slice %arg4[%dma_wait3A_239, %dma_wait3A_240] : memref<49152x128xf32, #tpu.memory_space<hbm>> -> memref<64x128xf32, #tpu.memory_space<hbm>>
        tpu.wait_dma2 semaphore(%arg12 : memref<!tpu.dma_semaphore, #tpu.memory_space<semaphore_mem>>) src(%arg8 : memref<64x128xf32, #tpu.memory_space<vmem>>) dst(%dma_wait3A_241 : memref<64x128xf32, #tpu.memory_space<hbm>>)
      } else {
      }
      %scan3A_153 = arith.constant 0 : i32
      %scan3A_154 = arith.constant 0 : i32
      %scan3A_155 = arith.constant 64 : i32
      %scan3A_156 = arith.addi %scan3A_154, %scan3A_155 : i32
      %scan3A_157 = arith.constant 1 : i32
      scf.for %scan3A_236 = %scan3A_154 to %scan3A_156 step %scan3A_157  : i32 {
        %mul3A_237 = arith.constant 4 : i32
        %mul3A_238 = arith.muli %scan3A_236, %mul3A_237 : i32
        %get3A = arith.index_cast %mul3A_238 : i32 to index
        %get3A_239 = arith.constant 0 : index
        %get3A_240 = tpu.vector_load %arg6[%get3A, %get3A_239] {strides = array<i32>} : memref<256x128xf32, #tpu.memory_space<vmem>>, vector<1x16xf32>,
        %get3A_241 = vector.shape_cast %get3A_240 : vector<1x16xf32> to vector<16xf32>
        %add3A_242 = arith.constant 1 : i32
        %add3A_243 = arith.addi %mul3A_238, %add3A_242 : i32
        %get3A_244 = arith.index_cast %add3A_243 : i32 to index
        %get3A_245 = arith.constant 0 : index
        %get3A_246 = tpu.vector_load %arg6[%get3A_244, %get3A_245] {strides = array<i32>} : memref<256x128xf32, #tpu.memory_space<vmem>>, vector<1x16xf32>,
        %get3A_247 = vector.shape_cast %get3A_246 : vector<1x16xf32> to vector<16xf32>
        %add3A_248 = arith.addf %get3A_241, %get3A_247 : vector<16xf32>
        %add3A_249 = arith.constant 2 : i32
        %add3A_250 = arith.addi %mul3A_238, %add3A_249 : i32
        %get3A_251 = arith.index_cast %add3A_250 : i32 to index
        %get3A_252 = arith.constant 0 : index
        %get3A_253 = tpu.vector_load %arg6[%get3A_251, %get3A_252] {strides = array<i32>} : memref<256x128xf32, #tpu.memory_space<vmem>>, vector<1x16xf32>,
        %get3A_254 = vector.shape_cast %get3A_253 : vector<1x16xf32> to vector<16xf32>
        %add3A_255 = arith.constant 3 : i32
        %add3A_256 = arith.addi %mul3A_238, %add3A_255 : i32
        %get3A_257 = arith.index_cast %add3A_256 : i32 to index
        %get3A_258 = arith.constant 0 : index
        %get3A_259 = tpu.vector_load %arg6[%get3A_257, %get3A_258] {strides = array<i32>} : memref<256x128xf32, #tpu.memory_space<vmem>>, vector<1x16xf32>,
        %get3A_260 = vector.shape_cast %get3A_259 : vector<1x16xf32> to vector<16xf32>
        %add3A_261 = arith.addf %get3A_254, %get3A_260 : vector<16xf32>
        %add3A_262 = arith.addf %add3A_248, %add3A_261 : vector<16xf32>
        %swap3A = arith.index_cast %scan3A_236 : i32 to index
        %swap3A_263 = arith.constant 0 : index
        %swap3A_264 = tpu.vector_load %arg8[%swap3A, %swap3A_263] {strides = array<i32>} : memref<64x128xf32, #tpu.memory_space<vmem>>, vector<1x16xf32>,
        %swap3A_265 = vector.shape_cast %swap3A_264 : vector<1x16xf32> to vector<16xf32>
        %swap3A_266 = vector.shape_cast %add3A_262 : vector<16xf32> to vector<1x16xf32>
        tpu.vector_store %arg8[%swap3A, %swap3A_263], %swap3A_266 {strides = array<i32>} : memref<64x128xf32, #tpu.memory_space<vmem>>, vector<1x16xf32>,
        %get3A_267 = arith.index_cast %mul3A_238 : i32 to index
        %get3A_268 = arith.constant 16 : index
        %get3A_269 = tpu.vector_load %arg6[%get3A_267, %get3A_268] {strides = array<i32>} : memref<256x128xf32, #tpu.memory_space<vmem>>, vector<1x16xf32>,
        %get3A_270 = vector.shape_cast %get3A_269 : vector<1x16xf32> to vector<16xf32>
        %add3A_271 = arith.constant 1 : i32
        %add3A_272 = arith.addi %mul3A_238, %add3A_271 : i32
        %get3A_273 = arith.index_cast %add3A_272 : i32 to index
        %get3A_274 = arith.constant 16 : index
        %get3A_275 = tpu.vector_load %arg6[%get3A_273, %get3A_274] {strides = array<i32>} : memref<256x128xf32, #tpu.memory_space<vmem>>, vector<1x16xf32>,
        %get3A_276 = vector.shape_cast %get3A_275 : vector<1x16xf32> to vector<16xf32>
        %add3A_277 = arith.addf %get3A_270, %get3A_276 : vector<16xf32>
        %add3A_278 = arith.constant 2 : i32
        %add3A_279 = arith.addi %mul3A_238, %add3A_278 : i32
        %get3A_280 = arith.index_cast %add3A_279 : i32 to index
        %get3A_281 = arith.constant 16 : index
        %get3A_282 = tpu.vector_load %arg6[%get3A_280, %get3A_281] {strides = array<i32>} : memref<256x128xf32, #tpu.memory_space<vmem>>, vector<1x16xf32>,
        %get3A_283 = vector.shape_cast %get3A_282 : vector<1x16xf32> to vector<16xf32>
        %add3A_284 = arith.constant 3 : i32
        %add3A_285 = arith.addi %mul3A_238, %add3A_284 : i32
        %get3A_286 = arith.index_cast %add3A_285 : i32 to index
        %get3A_287 = arith.constant 16 : index
        %get3A_288 = tpu.vector_load %arg6[%get3A_286, %get3A_287] {strides = array<i32>} : memref<256x128xf32, #tpu.memory_space<vmem>>, vector<1x16xf32>,
        %get3A_289 = vector.shape_cast %get3A_288 : vector<1x16xf32> to vector<16xf32>
        %add3A_290 = arith.addf %get3A_283, %get3A_289 : vector<16xf32>
        %add3A_291 = arith.addf %add3A_277, %add3A_290 : vector<16xf32>
        %swap3A_292 = arith.index_cast %scan3A_236 : i32 to index
        %swap3A_293 = arith.constant 16 : index
        %swap3A_294 = tpu.vector_load %arg8[%swap3A_292, %swap3A_293] {strides = array<i32>} : memref<64x128xf32, #tpu.memory_space<vmem>>, vector<1x16xf32>,
        %swap3A_295 = vector.shape_cast %swap3A_294 : vector<1x16xf32> to vector<16xf32>
        %swap3A_296 = vector.shape_cast %add3A_291 : vector<16xf32> to vector<1x16xf32>
        tpu.vector_store %arg8[%swap3A_292, %swap3A_293], %swap3A_296 {strides = array<i32>} : memref<64x128xf32, #tpu.memory_space<vmem>>, vector<1x16xf32>,
        %get3A_297 = arith.index_cast %mul3A_238 : i32 to index
        %get3A_298 = arith.constant 32 : index
        %get3A_299 = tpu.vector_load %arg6[%get3A_297, %get3A_298] {strides = array<i32>} : memref<256x128xf32, #tpu.memory_space<vmem>>, vector<1x16xf32>,
        %get3A_300 = vector.shape_cast %get3A_299 : vector<1x16xf32> to vector<16xf32>
        %add3A_301 = arith.constant 1 : i32
        %add3A_302 = arith.addi %mul3A_238, %add3A_301 : i32
        %get3A_303 = arith.index_cast %add3A_302 : i32 to index
        %get3A_304 = arith.constant 32 : index
        %get3A_305 = tpu.vector_load %arg6[%get3A_303, %get3A_304] {strides = array<i32>} : memref<256x128xf32, #tpu.memory_space<vmem>>, vector<1x16xf32>,
        %get3A_306 = vector.shape_cast %get3A_305 : vector<1x16xf32> to vector<16xf32>
        %add3A_307 = arith.addf %get3A_300, %get3A_306 : vector<16xf32>
        %add3A_308 = arith.constant 2 : i32
        %add3A_309 = arith.addi %mul3A_238, %add3A_308 : i32
        %get3A_310 = arith.index_cast %add3A_309 : i32 to index
        %get3A_311 = arith.constant 32 : index
        %get3A_312 = tpu.vector_load %arg6[%get3A_310, %get3A_311] {strides = array<i32>} : memref<256x128xf32, #tpu.memory_space<vmem>>, vector<1x16xf32>,
        %get3A_313 = vector.shape_cast %get3A_312 : vector<1x16xf32> to vector<16xf32>
        %add3A_314 = arith.constant 3 : i32
        %add3A_315 = arith.addi %mul3A_238, %add3A_314 : i32
        %get3A_316 = arith.index_cast %add3A_315 : i32 to index
        %get3A_317 = arith.constant 32 : index
        %get3A_318 = tpu.vector_load %arg6[%get3A_316, %get3A_317] {strides = array<i32>} : memref<256x128xf32, #tpu.memory_space<vmem>>, vector<1x16xf32>,
        %get3A_319 = vector.shape_cast %get3A_318 : vector<1x16xf32> to vector<16xf32>
        %add3A_320 = arith.addf %get3A_313, %get3A_319 : vector<16xf32>
        %add3A_321 = arith.addf %add3A_307, %add3A_320 : vector<16xf32>
        %swap3A_322 = arith.index_cast %scan3A_236 : i32 to index
        %swap3A_323 = arith.constant 32 : index
        %swap3A_324 = tpu.vector_load %arg8[%swap3A_322, %swap3A_323] {strides = array<i32>} : memref<64x128xf32, #tpu.memory_space<vmem>>, vector<1x16xf32>,
        %swap3A_325 = vector.shape_cast %swap3A_324 : vector<1x16xf32> to vector<16xf32>
        %swap3A_326 = vector.shape_cast %add3A_321 : vector<16xf32> to vector<1x16xf32>
        tpu.vector_store %arg8[%swap3A_322, %swap3A_323], %swap3A_326 {strides = array<i32>} : memref<64x128xf32, #tpu.memory_space<vmem>>, vector<1x16xf32>,
        %get3A_327 = arith.index_cast %mul3A_238 : i32 to index
        %get3A_328 = arith.constant 48 : index
        %get3A_329 = tpu.vector_load %arg6[%get3A_327, %get3A_328] {strides = array<i32>} : memref<256x128xf32, #tpu.memory_space<vmem>>, vector<1x16xf32>,
        %get3A_330 = vector.shape_cast %get3A_329 : vector<1x16xf32> to vector<16xf32>
        %add3A_331 = arith.constant 1 : i32
        %add3A_332 = arith.addi %mul3A_238, %add3A_331 : i32
        %get3A_333 = arith.index_cast %add3A_332 : i32 to index
        %get3A_334 = arith.constant 48 : index
        %get3A_335 = tpu.vector_load %arg6[%get3A_333, %get3A_334] {strides = array<i32>} : memref<256x128xf32, #tpu.memory_space<vmem>>, vector<1x16xf32>,
        %get3A_336 = vector.shape_cast %get3A_335 : vector<1x16xf32> to vector<16xf32>
        %add3A_337 = arith.addf %get3A_330, %get3A_336 : vector<16xf32>
        %add3A_338 = arith.constant 2 : i32
        %add3A_339 = arith.addi %mul3A_238, %add3A_338 : i32
        %get3A_340 = arith.index_cast %add3A_339 : i32 to index
        %get3A_341 = arith.constant 48 : index
        %get3A_342 = tpu.vector_load %arg6[%get3A_340, %get3A_341] {strides = array<i32>} : memref<256x128xf32, #tpu.memory_space<vmem>>, vector<1x16xf32>,
        %get3A_343 = vector.shape_cast %get3A_342 : vector<1x16xf32> to vector<16xf32>
        %add3A_344 = arith.constant 3 : i32
        %add3A_345 = arith.addi %mul3A_238, %add3A_344 : i32
        %get3A_346 = arith.index_cast %add3A_345 : i32 to index
        %get3A_347 = arith.constant 48 : index
        %get3A_348 = tpu.vector_load %arg6[%get3A_346, %get3A_347] {strides = array<i32>} : memref<256x128xf32, #tpu.memory_space<vmem>>, vector<1x16xf32>,
        %get3A_349 = vector.shape_cast %get3A_348 : vector<1x16xf32> to vector<16xf32>
        %add3A_350 = arith.addf %get3A_343, %get3A_349 : vector<16xf32>
        %add3A_351 = arith.addf %add3A_337, %add3A_350 : vector<16xf32>
        %swap3A_352 = arith.index_cast %scan3A_236 : i32 to index
        %swap3A_353 = arith.constant 48 : index
        %swap3A_354 = tpu.vector_load %arg8[%swap3A_352, %swap3A_353] {strides = array<i32>} : memref<64x128xf32, #tpu.memory_space<vmem>>, vector<1x16xf32>,
        %swap3A_355 = vector.shape_cast %swap3A_354 : vector<1x16xf32> to vector<16xf32>
        %swap3A_356 = vector.shape_cast %add3A_351 : vector<16xf32> to vector<1x16xf32>
        tpu.vector_store %arg8[%swap3A_352, %swap3A_353], %swap3A_356 {strides = array<i32>} : memref<64x128xf32, #tpu.memory_space<vmem>>, vector<1x16xf32>,
        %get3A_357 = arith.index_cast %mul3A_238 : i32 to index
        %get3A_358 = arith.constant 64 : index
        %get3A_359 = tpu.vector_load %arg6[%get3A_357, %get3A_358] {strides = array<i32>} : memref<256x128xf32, #tpu.memory_space<vmem>>, vector<1x16xf32>,
        %get3A_360 = vector.shape_cast %get3A_359 : vector<1x16xf32> to vector<16xf32>
        %add3A_361 = arith.constant 1 : i32
        %add3A_362 = arith.addi %mul3A_238, %add3A_361 : i32
        %get3A_363 = arith.index_cast %add3A_362 : i32 to index
        %get3A_364 = arith.constant 64 : index
        %get3A_365 = tpu.vector_load %arg6[%get3A_363, %get3A_364] {strides = array<i32>} : memref<256x128xf32, #tpu.memory_space<vmem>>, vector<1x16xf32>,
        %get3A_366 = vector.shape_cast %get3A_365 : vector<1x16xf32> to vector<16xf32>
        %add3A_367 = arith.addf %get3A_360, %get3A_366 : vector<16xf32>
        %add3A_368 = arith.constant 2 : i32
        %add3A_369 = arith.addi %mul3A_238, %add3A_368 : i32
        %get3A_370 = arith.index_cast %add3A_369 : i32 to index
        %get3A_371 = arith.constant 64 : index
        %get3A_372 = tpu.vector_load %arg6[%get3A_370, %get3A_371] {strides = array<i32>} : memref<256x128xf32, #tpu.memory_space<vmem>>, vector<1x16xf32>,
        %get3A_373 = vector.shape_cast %get3A_372 : vector<1x16xf32> to vector<16xf32>
        %add3A_374 = arith.constant 3 : i32
        %add3A_375 = arith.addi %mul3A_238, %add3A_374 : i32
        %get3A_376 = arith.index_cast %add3A_375 : i32 to index
        %get3A_377 = arith.constant 64 : index
        %get3A_378 = tpu.vector_load %arg6[%get3A_376, %get3A_377] {strides = array<i32>} : memref<256x128xf32, #tpu.memory_space<vmem>>, vector<1x16xf32>,
        %get3A_379 = vector.shape_cast %get3A_378 : vector<1x16xf32> to vector<16xf32>
        %add3A_380 = arith.addf %get3A_373, %get3A_379 : vector<16xf32>
        %add3A_381 = arith.addf %add3A_367, %add3A_380 : vector<16xf32>
        %swap3A_382 = arith.index_cast %scan3A_236 : i32 to index
        %swap3A_383 = arith.constant 64 : index
        %swap3A_384 = tpu.vector_load %arg8[%swap3A_382, %swap3A_383] {strides = array<i32>} : memref<64x128xf32, #tpu.memory_space<vmem>>, vector<1x16xf32>,
        %swap3A_385 = vector.shape_cast %swap3A_384 : vector<1x16xf32> to vector<16xf32>
        %swap3A_386 = vector.shape_cast %add3A_381 : vector<16xf32> to vector<1x16xf32>
        tpu.vector_store %arg8[%swap3A_382, %swap3A_383], %swap3A_386 {strides = array<i32>} : memref<64x128xf32, #tpu.memory_space<vmem>>, vector<1x16xf32>,
        %get3A_387 = arith.index_cast %mul3A_238 : i32 to index
        %get3A_388 = arith.constant 80 : index
        %get3A_389 = tpu.vector_load %arg6[%get3A_387, %get3A_388] {strides = array<i32>} : memref<256x128xf32, #tpu.memory_space<vmem>>, vector<1x16xf32>,
        %get3A_390 = vector.shape_cast %get3A_389 : vector<1x16xf32> to vector<16xf32>
        %add3A_391 = arith.constant 1 : i32
        %add3A_392 = arith.addi %mul3A_238, %add3A_391 : i32
        %get3A_393 = arith.index_cast %add3A_392 : i32 to index
        %get3A_394 = arith.constant 80 : index
        %get3A_395 = tpu.vector_load %arg6[%get3A_393, %get3A_394] {strides = array<i32>} : memref<256x128xf32, #tpu.memory_space<vmem>>, vector<1x16xf32>,
        %get3A_396 = vector.shape_cast %get3A_395 : vector<1x16xf32> to vector<16xf32>
        %add3A_397 = arith.addf %get3A_390, %get3A_396 : vector<16xf32>
        %add3A_398 = arith.constant 2 : i32
        %add3A_399 = arith.addi %mul3A_238, %add3A_398 : i32
        %get3A_400 = arith.index_cast %add3A_399 : i32 to index
        %get3A_401 = arith.constant 80 : index
        %get3A_402 = tpu.vector_load %arg6[%get3A_400, %get3A_401] {strides = array<i32>} : memref<256x128xf32, #tpu.memory_space<vmem>>, vector<1x16xf32>,
        %get3A_403 = vector.shape_cast %get3A_402 : vector<1x16xf32> to vector<16xf32>
        %add3A_404 = arith.constant 3 : i32
        %add3A_405 = arith.addi %mul3A_238, %add3A_404 : i32
        %get3A_406 = arith.index_cast %add3A_405 : i32 to index
        %get3A_407 = arith.constant 80 : index
        %get3A_408 = tpu.vector_load %arg6[%get3A_406, %get3A_407] {strides = array<i32>} : memref<256x128xf32, #tpu.memory_space<vmem>>, vector<1x16xf32>,
        %get3A_409 = vector.shape_cast %get3A_408 : vector<1x16xf32> to vector<16xf32>
        %add3A_410 = arith.addf %get3A_403, %get3A_409 : vector<16xf32>
        %add3A_411 = arith.addf %add3A_397, %add3A_410 : vector<16xf32>
        %swap3A_412 = arith.index_cast %scan3A_236 : i32 to index
        %swap3A_413 = arith.constant 80 : index
        %swap3A_414 = tpu.vector_load %arg8[%swap3A_412, %swap3A_413] {strides = array<i32>} : memref<64x128xf32, #tpu.memory_space<vmem>>, vector<1x16xf32>,
        %swap3A_415 = vector.shape_cast %swap3A_414 : vector<1x16xf32> to vector<16xf32>
        %swap3A_416 = vector.shape_cast %add3A_411 : vector<16xf32> to vector<1x16xf32>
        tpu.vector_store %arg8[%swap3A_412, %swap3A_413], %swap3A_416 {strides = array<i32>} : memref<64x128xf32, #tpu.memory_space<vmem>>, vector<1x16xf32>,
        %get3A_417 = arith.index_cast %mul3A_238 : i32 to index
        %get3A_418 = arith.constant 96 : index
        %get3A_419 = tpu.vector_load %arg6[%get3A_417, %get3A_418] {strides = array<i32>} : memref<256x128xf32, #tpu.memory_space<vmem>>, vector<1x16xf32>,
        %get3A_420 = vector.shape_cast %get3A_419 : vector<1x16xf32> to vector<16xf32>
        %add3A_421 = arith.constant 1 : i32
        %add3A_422 = arith.addi %mul3A_238, %add3A_421 : i32
        %get3A_423 = arith.index_cast %add3A_422 : i32 to index
        %get3A_424 = arith.constant 96 : index
        %get3A_425 = tpu.vector_load %arg6[%get3A_423, %get3A_424] {strides = array<i32>} : memref<256x128xf32, #tpu.memory_space<vmem>>, vector<1x16xf32>,
        %get3A_426 = vector.shape_cast %get3A_425 : vector<1x16xf32> to vector<16xf32>
        %add3A_427 = arith.addf %get3A_420, %get3A_426 : vector<16xf32>
        %add3A_428 = arith.constant 2 : i32
        %add3A_429 = arith.addi %mul3A_238, %add3A_428 : i32
        %get3A_430 = arith.index_cast %add3A_429 : i32 to index
        %get3A_431 = arith.constant 96 : index
        %get3A_432 = tpu.vector_load %arg6[%get3A_430, %get3A_431] {strides = array<i32>} : memref<256x128xf32, #tpu.memory_space<vmem>>, vector<1x16xf32>,
        %get3A_433 = vector.shape_cast %get3A_432 : vector<1x16xf32> to vector<16xf32>
        %add3A_434 = arith.constant 3 : i32
        %add3A_435 = arith.addi %mul3A_238, %add3A_434 : i32
        %get3A_436 = arith.index_cast %add3A_435 : i32 to index
        %get3A_437 = arith.constant 96 : index
        %get3A_438 = tpu.vector_load %arg6[%get3A_436, %get3A_437] {strides = array<i32>} : memref<256x128xf32, #tpu.memory_space<vmem>>, vector<1x16xf32>,
        %get3A_439 = vector.shape_cast %get3A_438 : vector<1x16xf32> to vector<16xf32>
        %add3A_440 = arith.addf %get3A_433, %get3A_439 : vector<16xf32>
        %add3A_441 = arith.addf %add3A_427, %add3A_440 : vector<16xf32>
        %swap3A_442 = arith.index_cast %scan3A_236 : i32 to index
        %swap3A_443 = arith.constant 96 : index
        %swap3A_444 = tpu.vector_load %arg8[%swap3A_442, %swap3A_443] {strides = array<i32>} : memref<64x128xf32, #tpu.memory_space<vmem>>, vector<1x16xf32>,
        %swap3A_445 = vector.shape_cast %swap3A_444 : vector<1x16xf32> to vector<16xf32>
        %swap3A_446 = vector.shape_cast %add3A_441 : vector<16xf32> to vector<1x16xf32>
        tpu.vector_store %arg8[%swap3A_442, %swap3A_443], %swap3A_446 {strides = array<i32>} : memref<64x128xf32, #tpu.memory_space<vmem>>, vector<1x16xf32>,
        %get3A_447 = arith.index_cast %mul3A_238 : i32 to index
        %get3A_448 = arith.constant 112 : index
        %get3A_449 = tpu.vector_load %arg6[%get3A_447, %get3A_448] {strides = array<i32>} : memref<256x128xf32, #tpu.memory_space<vmem>>, vector<1x16xf32>,
        %get3A_450 = vector.shape_cast %get3A_449 : vector<1x16xf32> to vector<16xf32>
        %add3A_451 = arith.constant 1 : i32
        %add3A_452 = arith.addi %mul3A_238, %add3A_451 : i32
        %get3A_453 = arith.index_cast %add3A_452 : i32 to index
        %get3A_454 = arith.constant 112 : index
        %get3A_455 = tpu.vector_load %arg6[%get3A_453, %get3A_454] {strides = array<i32>} : memref<256x128xf32, #tpu.memory_space<vmem>>, vector<1x16xf32>,
        %get3A_456 = vector.shape_cast %get3A_455 : vector<1x16xf32> to vector<16xf32>
        %add3A_457 = arith.addf %get3A_450, %get3A_456 : vector<16xf32>
        %add3A_458 = arith.constant 2 : i32
        %add3A_459 = arith.addi %mul3A_238, %add3A_458 : i32
        %get3A_460 = arith.index_cast %add3A_459 : i32 to index
        %get3A_461 = arith.constant 112 : index
        %get3A_462 = tpu.vector_load %arg6[%get3A_460, %get3A_461] {strides = array<i32>} : memref<256x128xf32, #tpu.memory_space<vmem>>, vector<1x16xf32>,
        %get3A_463 = vector.shape_cast %get3A_462 : vector<1x16xf32> to vector<16xf32>
        %add3A_464 = arith.constant 3 : i32
        %add3A_465 = arith.addi %mul3A_238, %add3A_464 : i32
        %get3A_466 = arith.index_cast %add3A_465 : i32 to index
        %get3A_467 = arith.constant 112 : index
        %get3A_468 = tpu.vector_load %arg6[%get3A_466, %get3A_467] {strides = array<i32>} : memref<256x128xf32, #tpu.memory_space<vmem>>, vector<1x16xf32>,
        %get3A_469 = vector.shape_cast %get3A_468 : vector<1x16xf32> to vector<16xf32>
        %add3A_470 = arith.addf %get3A_463, %get3A_469 : vector<16xf32>
        %add3A_471 = arith.addf %add3A_457, %add3A_470 : vector<16xf32>
        %swap3A_472 = arith.index_cast %scan3A_236 : i32 to index
        %swap3A_473 = arith.constant 112 : index
        %swap3A_474 = tpu.vector_load %arg8[%swap3A_472, %swap3A_473] {strides = array<i32>} : memref<64x128xf32, #tpu.memory_space<vmem>>, vector<1x16xf32>,
        %swap3A_475 = vector.shape_cast %swap3A_474 : vector<1x16xf32> to vector<16xf32>
        %swap3A_476 = vector.shape_cast %add3A_471 : vector<16xf32> to vector<1x16xf32>
        tpu.vector_store %arg8[%swap3A_472, %swap3A_473], %swap3A_476 {strides = array<i32>} : memref<64x128xf32, #tpu.memory_space<vmem>>, vector<1x16xf32>,
      }
      %scan3A_158 = arith.constant 64 : i32
      %mul3A_159 = arith.constant 64 : i32
      %mul3A_160 = arith.muli %mul3A_54, %mul3A_159 : i32
      %add3A_161 = arith.addi %mul3A_2, %mul3A_160 : i32
      %dma_start3A_162 = arith.constant 0 : i32
      %dma_start3A_163 = tpu.memref_slice %arg4[%add3A_161, %dma_start3A_162] : memref<49152x128xf32, #tpu.memory_space<hbm>> -> memref<64x128xf32, #tpu.memory_space<hbm>>
      %dma_start3A_164 = arith.constant 0 : i32
      %dma_start3A_165 = tpu.memref_slice %arg4[%add3A_161, %dma_start3A_164] : memref<49152x128xf32, #tpu.memory_space<hbm>> -> memref<64x128xf32, #tpu.memory_space<hbm>>
      tpu.enqueue_dma source(%arg8 : memref<64x128xf32, #tpu.memory_space<vmem>>) target(%dma_start3A_165 : memref<64x128xf32, #tpu.memory_space<hbm>>) target_semaphore(%arg12 : memref<!tpu.dma_semaphore, #tpu.memory_space<semaphore_mem>>)
      %lt3A = arith.constant 11 : i32
      %lt3A_166 = arith.cmpi slt, %scan3A_52, %lt3A : i32
      %convert_element_type3A_167 = arith.extui %lt3A_166 : i1 to i32
      %cond3A_168 = arith.constant 0 : i32
      %cond3A_169 = arith.cmpi ne, %convert_element_type3A_167, %cond3A_168 : i32
      scf.if %cond3A_169 {
        %add3A_236 = arith.constant 2 : i32
        %add3A_237 = arith.addi %mul3A_54, %add3A_236 : i32
        %mul3A_238 = arith.constant 256 : i32
        %mul3A_239 = arith.muli %add3A_237, %mul3A_238 : i32
        %add3A_240 = arith.constant 0 : i32
        %add3A_241 = arith.addi %mul3A_239, %add3A_240 : i32
        %dma_start3A_242 = arith.constant 0 : i32
        %dma_start3A_243 = arith.constant 0 : i32
        %dma_start3A_244 = tpu.memref_slice %arg6[%dma_start3A_242, %dma_start3A_243] : memref<256x128xf32, #tpu.memory_space<vmem>> -> memref<64x128xf32, #tpu.memory_space<vmem>>
        %dma_start3A_245 = tpu.memref_slice %arg5[%add3A_241] : memref<6144xi32, #tpu.memory_space<vmem>> -> memref<64xi32, #tpu.memory_space<vmem>>
        %dma_start3A_246 = arith.constant 0 : i32
        %dma_start3A_247 = arith.constant 0 : i32
        %dma_start3A_248 = tpu.memref_slice %arg2[%dma_start3A_246, %dma_start3A_247] : memref<12288x128xf32, #tpu.memory_space<hbm>> -> memref<12288x128xf32, #tpu.memory_space<hbm>>
        tpu.enqueue_indirect_dma source(%dma_start3A_248 : memref<12288x128xf32, #tpu.memory_space<hbm>>) target(%dma_start3A_244 : memref<64x128xf32, #tpu.memory_space<vmem>>) offsets(%dma_start3A_245 : memref<64xi32, #tpu.memory_space<vmem>>) semaphore(%arg10 : memref<!tpu.dma_semaphore, #tpu.memory_space<semaphore_mem>>)
        %mul3A_249 = arith.constant 256 : i32
        %mul3A_250 = arith.muli %add3A_237, %mul3A_249 : i32
        %add3A_251 = arith.constant 64 : i32
        %add3A_252 = arith.addi %mul3A_250, %add3A_251 : i32
        %dma_start3A_253 = arith.constant 64 : i32
        %dma_start3A_254 = arith.constant 0 : i32
        %dma_start3A_255 = tpu.memref_slice %arg6[%dma_start3A_253, %dma_start3A_254] : memref<256x128xf32, #tpu.memory_space<vmem>> -> memref<64x128xf32, #tpu.memory_space<vmem>>
        %dma_start3A_256 = tpu.memref_slice %arg5[%add3A_252] : memref<6144xi32, #tpu.memory_space<vmem>> -> memref<64xi32, #tpu.memory_space<vmem>>
        %dma_start3A_257 = arith.constant 0 : i32
        %dma_start3A_258 = arith.constant 0 : i32
        %dma_start3A_259 = tpu.memref_slice %arg2[%dma_start3A_257, %dma_start3A_258] : memref<12288x128xf32, #tpu.memory_space<hbm>> -> memref<12288x128xf32, #tpu.memory_space<hbm>>
        tpu.enqueue_indirect_dma source(%dma_start3A_259 : memref<12288x128xf32, #tpu.memory_space<hbm>>) target(%dma_start3A_255 : memref<64x128xf32, #tpu.memory_space<vmem>>) offsets(%dma_start3A_256 : memref<64xi32, #tpu.memory_space<vmem>>) semaphore(%arg10 : memref<!tpu.dma_semaphore, #tpu.memory_space<semaphore_mem>>)
        %mul3A_260 = arith.constant 256 : i32
        %mul3A_261 = arith.muli %add3A_237, %mul3A_260 : i32
        %add3A_262 = arith.constant 128 : i32
        %add3A_263 = arith.addi %mul3A_261, %add3A_262 : i32
        %dma_start3A_264 = arith.constant 128 : i32
        %dma_start3A_265 = arith.constant 0 : i32
        %dma_start3A_266 = tpu.memref_slice %arg6[%dma_start3A_264, %dma_start3A_265] : memref<256x128xf32, #tpu.memory_space<vmem>> -> memref<64x128xf32, #tpu.memory_space<vmem>>
        %dma_start3A_267 = tpu.memref_slice %arg5[%add3A_263] : memref<6144xi32, #tpu.memory_space<vmem>> -> memref<64xi32, #tpu.memory_space<vmem>>
        %dma_start3A_268 = arith.constant 0 : i32
        %dma_start3A_269 = arith.constant 0 : i32
        %dma_start3A_270 = tpu.memref_slice %arg2[%dma_start3A_268, %dma_start3A_269] : memref<12288x128xf32, #tpu.memory_space<hbm>> -> memref<12288x128xf32, #tpu.memory_space<hbm>>
        tpu.enqueue_indirect_dma source(%dma_start3A_270 : memref<12288x128xf32, #tpu.memory_space<hbm>>) target(%dma_start3A_266 : memref<64x128xf32, #tpu.memory_space<vmem>>) offsets(%dma_start3A_267 : memref<64xi32, #tpu.memory_space<vmem>>) semaphore(%arg10 : memref<!tpu.dma_semaphore, #tpu.memory_space<semaphore_mem>>)
        %mul3A_271 = arith.constant 256 : i32
        %mul3A_272 = arith.muli %add3A_237, %mul3A_271 : i32
        %add3A_273 = arith.constant 192 : i32
        %add3A_274 = arith.addi %mul3A_272, %add3A_273 : i32
        %dma_start3A_275 = arith.constant 192 : i32
        %dma_start3A_276 = arith.constant 0 : i32
        %dma_start3A_277 = tpu.memref_slice %arg6[%dma_start3A_275, %dma_start3A_276] : memref<256x128xf32, #tpu.memory_space<vmem>> -> memref<64x128xf32, #tpu.memory_space<vmem>>
        %dma_start3A_278 = tpu.memref_slice %arg5[%add3A_274] : memref<6144xi32, #tpu.memory_space<vmem>> -> memref<64xi32, #tpu.memory_space<vmem>>
        %dma_start3A_279 = arith.constant 0 : i32
        %dma_start3A_280 = arith.constant 0 : i32
        %dma_start3A_281 = tpu.memref_slice %arg2[%dma_start3A_279, %dma_start3A_280] : memref<12288x128xf32, #tpu.memory_space<hbm>> -> memref<12288x128xf32, #tpu.memory_space<hbm>>
        tpu.enqueue_indirect_dma source(%dma_start3A_281 : memref<12288x128xf32, #tpu.memory_space<hbm>>) target(%dma_start3A_277 : memref<64x128xf32, #tpu.memory_space<vmem>>) offsets(%dma_start3A_278 : memref<64xi32, #tpu.memory_space<vmem>>) semaphore(%arg10 : memref<!tpu.dma_semaphore, #tpu.memory_space<semaphore_mem>>)
      } else {
      }
      %dma_wait3A_170 = arith.constant 0 : i32
      %dma_wait3A_171 = arith.constant 0 : i32
      %dma_wait3A_172 = tpu.memref_slice %arg7[%dma_wait3A_170, %dma_wait3A_171] : memref<256x128xf32, #tpu.memory_space<vmem>> -> memref<64x128xf32, #tpu.memory_space<vmem>>
      %dma_wait3A_173 = arith.constant 0 : i32
      %dma_wait3A_174 = arith.constant 0 : i32
      %dma_wait3A_175 = tpu.memref_slice %arg2[%dma_wait3A_173, %dma_wait3A_174] : memref<12288x128xf32, #tpu.memory_space<hbm>> -> memref<64x128xf32, #tpu.memory_space<hbm>>
      %dma_wait3A_176 = arith.constant 0 : i32
      %dma_wait3A_177 = arith.constant 0 : i32
      %dma_wait3A_178 = tpu.memref_slice %arg7[%dma_wait3A_176, %dma_wait3A_177] : memref<256x128xf32, #tpu.memory_space<vmem>> -> memref<64x128xf32, #tpu.memory_space<vmem>>
      %dma_wait3A_179 = arith.constant 0 : i32
      %dma_wait3A_180 = arith.constant 0 : i32
      %dma_wait3A_181 = tpu.memref_slice %arg2[%dma_wait3A_179, %dma_wait3A_180] : memref<12288x128xf32, #tpu.memory_space<hbm>> -> memref<64x128xf32, #tpu.memory_space<hbm>>
      tpu.wait_dma2 semaphore(%arg11 : memref<!tpu.dma_semaphore, #tpu.memory_space<semaphore_mem>>) src(%dma_wait3A_181 : memref<64x128xf32, #tpu.memory_space<hbm>>) dst(%dma_wait3A_178 : memref<64x128xf32, #tpu.memory_space<vmem>>)
      %dma_wait3A_182 = arith.constant 64 : i32
      %dma_wait3A_183 = arith.constant 0 : i32
      %dma_wait3A_184 = tpu.memref_slice %arg7[%dma_wait3A_182, %dma_wait3A_183] : memref<256x128xf32, #tpu.memory_space<vmem>> -> memref<64x128xf32, #tpu.memory_space<vmem>>
      %dma_wait3A_185 = arith.constant 0 : i32
      %dma_wait3A_186 = arith.constant 0 : i32
      %dma_wait3A_187 = tpu.memref_slice %arg2[%dma_wait3A_185, %dma_wait3A_186] : memref<12288x128xf32, #tpu.memory_space<hbm>> -> memref<64x128xf32, #tpu.memory_space<hbm>>
      %dma_wait3A_188 = arith.constant 64 : i32
      %dma_wait3A_189 = arith.constant 0 : i32
      %dma_wait3A_190 = tpu.memref_slice %arg7[%dma_wait3A_188, %dma_wait3A_189] : memref<256x128xf32, #tpu.memory_space<vmem>> -> memref<64x128xf32, #tpu.memory_space<vmem>>
      %dma_wait3A_191 = arith.constant 0 : i32
      %dma_wait3A_192 = arith.constant 0 : i32
      %dma_wait3A_193 = tpu.memref_slice %arg2[%dma_wait3A_191, %dma_wait3A_192] : memref<12288x128xf32, #tpu.memory_space<hbm>> -> memref<64x128xf32, #tpu.memory_space<hbm>>
      tpu.wait_dma2 semaphore(%arg11 : memref<!tpu.dma_semaphore, #tpu.memory_space<semaphore_mem>>) src(%dma_wait3A_193 : memref<64x128xf32, #tpu.memory_space<hbm>>) dst(%dma_wait3A_190 : memref<64x128xf32, #tpu.memory_space<vmem>>)
      %dma_wait3A_194 = arith.constant 128 : i32
      %dma_wait3A_195 = arith.constant 0 : i32
      %dma_wait3A_196 = tpu.memref_slice %arg7[%dma_wait3A_194, %dma_wait3A_195] : memref<256x128xf32, #tpu.memory_space<vmem>> -> memref<64x128xf32, #tpu.memory_space<vmem>>
      %dma_wait3A_197 = arith.constant 0 : i32
      %dma_wait3A_198 = arith.constant 0 : i32
      %dma_wait3A_199 = tpu.memref_slice %arg2[%dma_wait3A_197, %dma_wait3A_198] : memref<12288x128xf32, #tpu.memory_space<hbm>> -> memref<64x128xf32, #tpu.memory_space<hbm>>
      %dma_wait3A_200 = arith.constant 128 : i32
      %dma_wait3A_201 = arith.constant 0 : i32
      %dma_wait3A_202 = tpu.memref_slice %arg7[%dma_wait3A_200, %dma_wait3A_201] : memref<256x128xf32, #tpu.memory_space<vmem>> -> memref<64x128xf32, #tpu.memory_space<vmem>>
      %dma_wait3A_203 = arith.constant 0 : i32
      %dma_wait3A_204 = arith.constant 0 : i32
      %dma_wait3A_205 = tpu.memref_slice %arg2[%dma_wait3A_203, %dma_wait3A_204] : memref<12288x128xf32, #tpu.memory_space<hbm>> -> memref<64x128xf32, #tpu.memory_space<hbm>>
      tpu.wait_dma2 semaphore(%arg11 : memref<!tpu.dma_semaphore, #tpu.memory_space<semaphore_mem>>) src(%dma_wait3A_205 : memref<64x128xf32, #tpu.memory_space<hbm>>) dst(%dma_wait3A_202 : memref<64x128xf32, #tpu.memory_space<vmem>>)
      %dma_wait3A_206 = arith.constant 192 : i32
      %dma_wait3A_207 = arith.constant 0 : i32
      %dma_wait3A_208 = tpu.memref_slice %arg7[%dma_wait3A_206, %dma_wait3A_207] : memref<256x128xf32, #tpu.memory_space<vmem>> -> memref<64x128xf32, #tpu.memory_space<vmem>>
      %dma_wait3A_209 = arith.constant 0 : i32
      %dma_wait3A_210 = arith.constant 0 : i32
      %dma_wait3A_211 = tpu.memref_slice %arg2[%dma_wait3A_209, %dma_wait3A_210] : memref<12288x128xf32, #tpu.memory_space<hbm>> -> memref<64x128xf32, #tpu.memory_space<hbm>>
      %dma_wait3A_212 = arith.constant 192 : i32
      %dma_wait3A_213 = arith.constant 0 : i32
      %dma_wait3A_214 = tpu.memref_slice %arg7[%dma_wait3A_212, %dma_wait3A_213] : memref<256x128xf32, #tpu.memory_space<vmem>> -> memref<64x128xf32, #tpu.memory_space<vmem>>
      %dma_wait3A_215 = arith.constant 0 : i32
      %dma_wait3A_216 = arith.constant 0 : i32
      %dma_wait3A_217 = tpu.memref_slice %arg2[%dma_wait3A_215, %dma_wait3A_216] : memref<12288x128xf32, #tpu.memory_space<hbm>> -> memref<64x128xf32, #tpu.memory_space<hbm>>
      tpu.wait_dma2 semaphore(%arg11 : memref<!tpu.dma_semaphore, #tpu.memory_space<semaphore_mem>>) src(%dma_wait3A_217 : memref<64x128xf32, #tpu.memory_space<hbm>>) dst(%dma_wait3A_214 : memref<64x128xf32, #tpu.memory_space<vmem>>)
      %gt3A_218 = arith.constant 0 : i32
      %gt3A_219 = arith.cmpi sgt, %scan3A_52, %gt3A_218 : i32
      %convert_element_type3A_220 = arith.extui %gt3A_219 : i1 to i32
      %cond3A_221 = arith.constant 0 : i32
      %cond3A_222 = arith.cmpi ne, %convert_element_type3A_220, %cond3A_221 : i32
      scf.if %cond3A_222 {
        %dma_wait3A_236 = arith.constant 0 : i32
        %dma_wait3A_237 = arith.constant 0 : i32
        %dma_wait3A_238 = tpu.memref_slice %arg4[%dma_wait3A_236, %dma_wait3A_237] : memref<49152x128xf32, #tpu.memory_space<hbm>> -> memref<64x128xf32, #tpu.memory_space<hbm>>
        %dma_wait3A_239 = arith.constant 0 : i32
        %dma_wait3A_240 = arith.constant 0 : i32
        %dma_wait3A_241 = tpu.memref_slice %arg4[%dma_wait3A_239, %dma_wait3A_240] : memref<49152x128xf32, #tpu.memory_space<hbm>> -> memref<64x128xf32, #tpu.memory_space<hbm>>
        tpu.wait_dma2 semaphore(%arg13 : memref<!tpu.dma_semaphore, #tpu.memory_space<semaphore_mem>>) src(%arg9 : memref<64x128xf32, #tpu.memory_space<vmem>>) dst(%dma_wait3A_241 : memref<64x128xf32, #tpu.memory_space<hbm>>)
      } else {
      }
      %scan3A_223 = arith.constant 0 : i32
      %scan3A_224 = arith.constant 0 : i32
      %scan3A_225 = arith.constant 64 : i32
      %scan3A_226 = arith.addi %scan3A_224, %scan3A_225 : i32
      %scan3A_227 = arith.constant 1 : i32
      scf.for %scan3A_236 = %scan3A_224 to %scan3A_226 step %scan3A_227  : i32 {
        %mul3A_237 = arith.constant 4 : i32
        %mul3A_238 = arith.muli %scan3A_236, %mul3A_237 : i32
        %get3A = arith.index_cast %mul3A_238 : i32 to index
        %get3A_239 = arith.constant 0 : index
        %get3A_240 = tpu.vector_load %arg7[%get3A, %get3A_239] {strides = array<i32>} : memref<256x128xf32, #tpu.memory_space<vmem>>, vector<1x16xf32>,
        %get3A_241 = vector.shape_cast %get3A_240 : vector<1x16xf32> to vector<16xf32>
        %add3A_242 = arith.constant 1 : i32
        %add3A_243 = arith.addi %mul3A_238, %add3A_242 : i32
        %get3A_244 = arith.index_cast %add3A_243 : i32 to index
        %get3A_245 = arith.constant 0 : index
        %get3A_246 = tpu.vector_load %arg7[%get3A_244, %get3A_245] {strides = array<i32>} : memref<256x128xf32, #tpu.memory_space<vmem>>, vector<1x16xf32>,
        %get3A_247 = vector.shape_cast %get3A_246 : vector<1x16xf32> to vector<16xf32>
        %add3A_248 = arith.addf %get3A_241, %get3A_247 : vector<16xf32>
        %add3A_249 = arith.constant 2 : i32
        %add3A_250 = arith.addi %mul3A_238, %add3A_249 : i32
        %get3A_251 = arith.index_cast %add3A_250 : i32 to index
        %get3A_252 = arith.constant 0 : index
        %get3A_253 = tpu.vector_load %arg7[%get3A_251, %get3A_252] {strides = array<i32>} : memref<256x128xf32, #tpu.memory_space<vmem>>, vector<1x16xf32>,
        %get3A_254 = vector.shape_cast %get3A_253 : vector<1x16xf32> to vector<16xf32>
        %add3A_255 = arith.constant 3 : i32
        %add3A_256 = arith.addi %mul3A_238, %add3A_255 : i32
        %get3A_257 = arith.index_cast %add3A_256 : i32 to index
        %get3A_258 = arith.constant 0 : index
        %get3A_259 = tpu.vector_load %arg7[%get3A_257, %get3A_258] {strides = array<i32>} : memref<256x128xf32, #tpu.memory_space<vmem>>, vector<1x16xf32>,
        %get3A_260 = vector.shape_cast %get3A_259 : vector<1x16xf32> to vector<16xf32>
        %add3A_261 = arith.addf %get3A_254, %get3A_260 : vector<16xf32>
        %add3A_262 = arith.addf %add3A_248, %add3A_261 : vector<16xf32>
        %swap3A = arith.index_cast %scan3A_236 : i32 to index
        %swap3A_263 = arith.constant 0 : index
        %swap3A_264 = tpu.vector_load %arg9[%swap3A, %swap3A_263] {strides = array<i32>} : memref<64x128xf32, #tpu.memory_space<vmem>>, vector<1x16xf32>,
        %swap3A_265 = vector.shape_cast %swap3A_264 : vector<1x16xf32> to vector<16xf32>
        %swap3A_266 = vector.shape_cast %add3A_262 : vector<16xf32> to vector<1x16xf32>
        tpu.vector_store %arg9[%swap3A, %swap3A_263], %swap3A_266 {strides = array<i32>} : memref<64x128xf32, #tpu.memory_space<vmem>>, vector<1x16xf32>,
        %get3A_267 = arith.index_cast %mul3A_238 : i32 to index
        %get3A_268 = arith.constant 16 : index
        %get3A_269 = tpu.vector_load %arg7[%get3A_267, %get3A_268] {strides = array<i32>} : memref<256x128xf32, #tpu.memory_space<vmem>>, vector<1x16xf32>,
        %get3A_270 = vector.shape_cast %get3A_269 : vector<1x16xf32> to vector<16xf32>
        %add3A_271 = arith.constant 1 : i32
        %add3A_272 = arith.addi %mul3A_238, %add3A_271 : i32
        %get3A_273 = arith.index_cast %add3A_272 : i32 to index
        %get3A_274 = arith.constant 16 : index
        %get3A_275 = tpu.vector_load %arg7[%get3A_273, %get3A_274] {strides = array<i32>} : memref<256x128xf32, #tpu.memory_space<vmem>>, vector<1x16xf32>,
        %get3A_276 = vector.shape_cast %get3A_275 : vector<1x16xf32> to vector<16xf32>
        %add3A_277 = arith.addf %get3A_270, %get3A_276 : vector<16xf32>
        %add3A_278 = arith.constant 2 : i32
        %add3A_279 = arith.addi %mul3A_238, %add3A_278 : i32
        %get3A_280 = arith.index_cast %add3A_279 : i32 to index
        %get3A_281 = arith.constant 16 : index
        %get3A_282 = tpu.vector_load %arg7[%get3A_280, %get3A_281] {strides = array<i32>} : memref<256x128xf32, #tpu.memory_space<vmem>>, vector<1x16xf32>,
        %get3A_283 = vector.shape_cast %get3A_282 : vector<1x16xf32> to vector<16xf32>
        %add3A_284 = arith.constant 3 : i32
        %add3A_285 = arith.addi %mul3A_238, %add3A_284 : i32
        %get3A_286 = arith.index_cast %add3A_285 : i32 to index
        %get3A_287 = arith.constant 16 : index
        %get3A_288 = tpu.vector_load %arg7[%get3A_286, %get3A_287] {strides = array<i32>} : memref<256x128xf32, #tpu.memory_space<vmem>>, vector<1x16xf32>,
        %get3A_289 = vector.shape_cast %get3A_288 : vector<1x16xf32> to vector<16xf32>
        %add3A_290 = arith.addf %get3A_283, %get3A_289 : vector<16xf32>
        %add3A_291 = arith.addf %add3A_277, %add3A_290 : vector<16xf32>
        %swap3A_292 = arith.index_cast %scan3A_236 : i32 to index
        %swap3A_293 = arith.constant 16 : index
        %swap3A_294 = tpu.vector_load %arg9[%swap3A_292, %swap3A_293] {strides = array<i32>} : memref<64x128xf32, #tpu.memory_space<vmem>>, vector<1x16xf32>,
        %swap3A_295 = vector.shape_cast %swap3A_294 : vector<1x16xf32> to vector<16xf32>
        %swap3A_296 = vector.shape_cast %add3A_291 : vector<16xf32> to vector<1x16xf32>
        tpu.vector_store %arg9[%swap3A_292, %swap3A_293], %swap3A_296 {strides = array<i32>} : memref<64x128xf32, #tpu.memory_space<vmem>>, vector<1x16xf32>,
        %get3A_297 = arith.index_cast %mul3A_238 : i32 to index
        %get3A_298 = arith.constant 32 : index
        %get3A_299 = tpu.vector_load %arg7[%get3A_297, %get3A_298] {strides = array<i32>} : memref<256x128xf32, #tpu.memory_space<vmem>>, vector<1x16xf32>,
        %get3A_300 = vector.shape_cast %get3A_299 : vector<1x16xf32> to vector<16xf32>
        %add3A_301 = arith.constant 1 : i32
        %add3A_302 = arith.addi %mul3A_238, %add3A_301 : i32
        %get3A_303 = arith.index_cast %add3A_302 : i32 to index
        %get3A_304 = arith.constant 32 : index
        %get3A_305 = tpu.vector_load %arg7[%get3A_303, %get3A_304] {strides = array<i32>} : memref<256x128xf32, #tpu.memory_space<vmem>>, vector<1x16xf32>,
        %get3A_306 = vector.shape_cast %get3A_305 : vector<1x16xf32> to vector<16xf32>
        %add3A_307 = arith.addf %get3A_300, %get3A_306 : vector<16xf32>
        %add3A_308 = arith.constant 2 : i32
        %add3A_309 = arith.addi %mul3A_238, %add3A_308 : i32
        %get3A_310 = arith.index_cast %add3A_309 : i32 to index
        %get3A_311 = arith.constant 32 : index
        %get3A_312 = tpu.vector_load %arg7[%get3A_310, %get3A_311] {strides = array<i32>} : memref<256x128xf32, #tpu.memory_space<vmem>>, vector<1x16xf32>,
        %get3A_313 = vector.shape_cast %get3A_312 : vector<1x16xf32> to vector<16xf32>
        %add3A_314 = arith.constant 3 : i32
        %add3A_315 = arith.addi %mul3A_238, %add3A_314 : i32
        %get3A_316 = arith.index_cast %add3A_315 : i32 to index
        %get3A_317 = arith.constant 32 : index
        %get3A_318 = tpu.vector_load %arg7[%get3A_316, %get3A_317] {strides = array<i32>} : memref<256x128xf32, #tpu.memory_space<vmem>>, vector<1x16xf32>,
        %get3A_319 = vector.shape_cast %get3A_318 : vector<1x16xf32> to vector<16xf32>
        %add3A_320 = arith.addf %get3A_313, %get3A_319 : vector<16xf32>
        %add3A_321 = arith.addf %add3A_307, %add3A_320 : vector<16xf32>
        %swap3A_322 = arith.index_cast %scan3A_236 : i32 to index
        %swap3A_323 = arith.constant 32 : index
        %swap3A_324 = tpu.vector_load %arg9[%swap3A_322, %swap3A_323] {strides = array<i32>} : memref<64x128xf32, #tpu.memory_space<vmem>>, vector<1x16xf32>,
        %swap3A_325 = vector.shape_cast %swap3A_324 : vector<1x16xf32> to vector<16xf32>
        %swap3A_326 = vector.shape_cast %add3A_321 : vector<16xf32> to vector<1x16xf32>
        tpu.vector_store %arg9[%swap3A_322, %swap3A_323], %swap3A_326 {strides = array<i32>} : memref<64x128xf32, #tpu.memory_space<vmem>>, vector<1x16xf32>,
        %get3A_327 = arith.index_cast %mul3A_238 : i32 to index
        %get3A_328 = arith.constant 48 : index
        %get3A_329 = tpu.vector_load %arg7[%get3A_327, %get3A_328] {strides = array<i32>} : memref<256x128xf32, #tpu.memory_space<vmem>>, vector<1x16xf32>,
        %get3A_330 = vector.shape_cast %get3A_329 : vector<1x16xf32> to vector<16xf32>
        %add3A_331 = arith.constant 1 : i32
        %add3A_332 = arith.addi %mul3A_238, %add3A_331 : i32
        %get3A_333 = arith.index_cast %add3A_332 : i32 to index
        %get3A_334 = arith.constant 48 : index
        %get3A_335 = tpu.vector_load %arg7[%get3A_333, %get3A_334] {strides = array<i32>} : memref<256x128xf32, #tpu.memory_space<vmem>>, vector<1x16xf32>,
        %get3A_336 = vector.shape_cast %get3A_335 : vector<1x16xf32> to vector<16xf32>
        %add3A_337 = arith.addf %get3A_330, %get3A_336 : vector<16xf32>
        %add3A_338 = arith.constant 2 : i32
        %add3A_339 = arith.addi %mul3A_238, %add3A_338 : i32
        %get3A_340 = arith.index_cast %add3A_339 : i32 to index
        %get3A_341 = arith.constant 48 : index
        %get3A_342 = tpu.vector_load %arg7[%get3A_340, %get3A_341] {strides = array<i32>} : memref<256x128xf32, #tpu.memory_space<vmem>>, vector<1x16xf32>,
        %get3A_343 = vector.shape_cast %get3A_342 : vector<1x16xf32> to vector<16xf32>
        %add3A_344 = arith.constant 3 : i32
        %add3A_345 = arith.addi %mul3A_238, %add3A_344 : i32
        %get3A_346 = arith.index_cast %add3A_345 : i32 to index
        %get3A_347 = arith.constant 48 : index
        %get3A_348 = tpu.vector_load %arg7[%get3A_346, %get3A_347] {strides = array<i32>} : memref<256x128xf32, #tpu.memory_space<vmem>>, vector<1x16xf32>,
        %get3A_349 = vector.shape_cast %get3A_348 : vector<1x16xf32> to vector<16xf32>
        %add3A_350 = arith.addf %get3A_343, %get3A_349 : vector<16xf32>
        %add3A_351 = arith.addf %add3A_337, %add3A_350 : vector<16xf32>
        %swap3A_352 = arith.index_cast %scan3A_236 : i32 to index
        %swap3A_353 = arith.constant 48 : index
        %swap3A_354 = tpu.vector_load %arg9[%swap3A_352, %swap3A_353] {strides = array<i32>} : memref<64x128xf32, #tpu.memory_space<vmem>>, vector<1x16xf32>,
        %swap3A_355 = vector.shape_cast %swap3A_354 : vector<1x16xf32> to vector<16xf32>
        %swap3A_356 = vector.shape_cast %add3A_351 : vector<16xf32> to vector<1x16xf32>
        tpu.vector_store %arg9[%swap3A_352, %swap3A_353], %swap3A_356 {strides = array<i32>} : memref<64x128xf32, #tpu.memory_space<vmem>>, vector<1x16xf32>,
        %get3A_357 = arith.index_cast %mul3A_238 : i32 to index
        %get3A_358 = arith.constant 64 : index
        %get3A_359 = tpu.vector_load %arg7[%get3A_357, %get3A_358] {strides = array<i32>} : memref<256x128xf32, #tpu.memory_space<vmem>>, vector<1x16xf32>,
        %get3A_360 = vector.shape_cast %get3A_359 : vector<1x16xf32> to vector<16xf32>
        %add3A_361 = arith.constant 1 : i32
        %add3A_362 = arith.addi %mul3A_238, %add3A_361 : i32
        %get3A_363 = arith.index_cast %add3A_362 : i32 to index
        %get3A_364 = arith.constant 64 : index
        %get3A_365 = tpu.vector_load %arg7[%get3A_363, %get3A_364] {strides = array<i32>} : memref<256x128xf32, #tpu.memory_space<vmem>>, vector<1x16xf32>,
        %get3A_366 = vector.shape_cast %get3A_365 : vector<1x16xf32> to vector<16xf32>
        %add3A_367 = arith.addf %get3A_360, %get3A_366 : vector<16xf32>
        %add3A_368 = arith.constant 2 : i32
        %add3A_369 = arith.addi %mul3A_238, %add3A_368 : i32
        %get3A_370 = arith.index_cast %add3A_369 : i32 to index
        %get3A_371 = arith.constant 64 : index
        %get3A_372 = tpu.vector_load %arg7[%get3A_370, %get3A_371] {strides = array<i32>} : memref<256x128xf32, #tpu.memory_space<vmem>>, vector<1x16xf32>,
        %get3A_373 = vector.shape_cast %get3A_372 : vector<1x16xf32> to vector<16xf32>
        %add3A_374 = arith.constant 3 : i32
        %add3A_375 = arith.addi %mul3A_238, %add3A_374 : i32
        %get3A_376 = arith.index_cast %add3A_375 : i32 to index
        %get3A_377 = arith.constant 64 : index
        %get3A_378 = tpu.vector_load %arg7[%get3A_376, %get3A_377] {strides = array<i32>} : memref<256x128xf32, #tpu.memory_space<vmem>>, vector<1x16xf32>,
        %get3A_379 = vector.shape_cast %get3A_378 : vector<1x16xf32> to vector<16xf32>
        %add3A_380 = arith.addf %get3A_373, %get3A_379 : vector<16xf32>
        %add3A_381 = arith.addf %add3A_367, %add3A_380 : vector<16xf32>
        %swap3A_382 = arith.index_cast %scan3A_236 : i32 to index
        %swap3A_383 = arith.constant 64 : index
        %swap3A_384 = tpu.vector_load %arg9[%swap3A_382, %swap3A_383] {strides = array<i32>} : memref<64x128xf32, #tpu.memory_space<vmem>>, vector<1x16xf32>,
        %swap3A_385 = vector.shape_cast %swap3A_384 : vector<1x16xf32> to vector<16xf32>
        %swap3A_386 = vector.shape_cast %add3A_381 : vector<16xf32> to vector<1x16xf32>
        tpu.vector_store %arg9[%swap3A_382, %swap3A_383], %swap3A_386 {strides = array<i32>} : memref<64x128xf32, #tpu.memory_space<vmem>>, vector<1x16xf32>,
        %get3A_387 = arith.index_cast %mul3A_238 : i32 to index
        %get3A_388 = arith.constant 80 : index
        %get3A_389 = tpu.vector_load %arg7[%get3A_387, %get3A_388] {strides = array<i32>} : memref<256x128xf32, #tpu.memory_space<vmem>>, vector<1x16xf32>,
        %get3A_390 = vector.shape_cast %get3A_389 : vector<1x16xf32> to vector<16xf32>
        %add3A_391 = arith.constant 1 : i32
        %add3A_392 = arith.addi %mul3A_238, %add3A_391 : i32
        %get3A_393 = arith.index_cast %add3A_392 : i32 to index
        %get3A_394 = arith.constant 80 : index
        %get3A_395 = tpu.vector_load %arg7[%get3A_393, %get3A_394] {strides = array<i32>} : memref<256x128xf32, #tpu.memory_space<vmem>>, vector<1x16xf32>,
        %get3A_396 = vector.shape_cast %get3A_395 : vector<1x16xf32> to vector<16xf32>
        %add3A_397 = arith.addf %get3A_390, %get3A_396 : vector<16xf32>
        %add3A_398 = arith.constant 2 : i32
        %add3A_399 = arith.addi %mul3A_238, %add3A_398 : i32
        %get3A_400 = arith.index_cast %add3A_399 : i32 to index
        %get3A_401 = arith.constant 80 : index
        %get3A_402 = tpu.vector_load %arg7[%get3A_400, %get3A_401] {strides = array<i32>} : memref<256x128xf32, #tpu.memory_space<vmem>>, vector<1x16xf32>,
        %get3A_403 = vector.shape_cast %get3A_402 : vector<1x16xf32> to vector<16xf32>
        %add3A_404 = arith.constant 3 : i32
        %add3A_405 = arith.addi %mul3A_238, %add3A_404 : i32
        %get3A_406 = arith.index_cast %add3A_405 : i32 to index
        %get3A_407 = arith.constant 80 : index
        %get3A_408 = tpu.vector_load %arg7[%get3A_406, %get3A_407] {strides = array<i32>} : memref<256x128xf32, #tpu.memory_space<vmem>>, vector<1x16xf32>,
        %get3A_409 = vector.shape_cast %get3A_408 : vector<1x16xf32> to vector<16xf32>
        %add3A_410 = arith.addf %get3A_403, %get3A_409 : vector<16xf32>
        %add3A_411 = arith.addf %add3A_397, %add3A_410 : vector<16xf32>
        %swap3A_412 = arith.index_cast %scan3A_236 : i32 to index
        %swap3A_413 = arith.constant 80 : index
        %swap3A_414 = tpu.vector_load %arg9[%swap3A_412, %swap3A_413] {strides = array<i32>} : memref<64x128xf32, #tpu.memory_space<vmem>>, vector<1x16xf32>,
        %swap3A_415 = vector.shape_cast %swap3A_414 : vector<1x16xf32> to vector<16xf32>
        %swap3A_416 = vector.shape_cast %add3A_411 : vector<16xf32> to vector<1x16xf32>
        tpu.vector_store %arg9[%swap3A_412, %swap3A_413], %swap3A_416 {strides = array<i32>} : memref<64x128xf32, #tpu.memory_space<vmem>>, vector<1x16xf32>,
        %get3A_417 = arith.index_cast %mul3A_238 : i32 to index
        %get3A_418 = arith.constant 96 : index
        %get3A_419 = tpu.vector_load %arg7[%get3A_417, %get3A_418] {strides = array<i32>} : memref<256x128xf32, #tpu.memory_space<vmem>>, vector<1x16xf32>,
        %get3A_420 = vector.shape_cast %get3A_419 : vector<1x16xf32> to vector<16xf32>
        %add3A_421 = arith.constant 1 : i32
        %add3A_422 = arith.addi %mul3A_238, %add3A_421 : i32
        %get3A_423 = arith.index_cast %add3A_422 : i32 to index
        %get3A_424 = arith.constant 96 : index
        %get3A_425 = tpu.vector_load %arg7[%get3A_423, %get3A_424] {strides = array<i32>} : memref<256x128xf32, #tpu.memory_space<vmem>>, vector<1x16xf32>,
        %get3A_426 = vector.shape_cast %get3A_425 : vector<1x16xf32> to vector<16xf32>
        %add3A_427 = arith.addf %get3A_420, %get3A_426 : vector<16xf32>
        %add3A_428 = arith.constant 2 : i32
        %add3A_429 = arith.addi %mul3A_238, %add3A_428 : i32
        %get3A_430 = arith.index_cast %add3A_429 : i32 to index
        %get3A_431 = arith.constant 96 : index
        %get3A_432 = tpu.vector_load %arg7[%get3A_430, %get3A_431] {strides = array<i32>} : memref<256x128xf32, #tpu.memory_space<vmem>>, vector<1x16xf32>,
        %get3A_433 = vector.shape_cast %get3A_432 : vector<1x16xf32> to vector<16xf32>
        %add3A_434 = arith.constant 3 : i32
        %add3A_435 = arith.addi %mul3A_238, %add3A_434 : i32
        %get3A_436 = arith.index_cast %add3A_435 : i32 to index
        %get3A_437 = arith.constant 96 : index
        %get3A_438 = tpu.vector_load %arg7[%get3A_436, %get3A_437] {strides = array<i32>} : memref<256x128xf32, #tpu.memory_space<vmem>>, vector<1x16xf32>,
        %get3A_439 = vector.shape_cast %get3A_438 : vector<1x16xf32> to vector<16xf32>
        %add3A_440 = arith.addf %get3A_433, %get3A_439 : vector<16xf32>
        %add3A_441 = arith.addf %add3A_427, %add3A_440 : vector<16xf32>
        %swap3A_442 = arith.index_cast %scan3A_236 : i32 to index
        %swap3A_443 = arith.constant 96 : index
        %swap3A_444 = tpu.vector_load %arg9[%swap3A_442, %swap3A_443] {strides = array<i32>} : memref<64x128xf32, #tpu.memory_space<vmem>>, vector<1x16xf32>,
        %swap3A_445 = vector.shape_cast %swap3A_444 : vector<1x16xf32> to vector<16xf32>
        %swap3A_446 = vector.shape_cast %add3A_441 : vector<16xf32> to vector<1x16xf32>
        tpu.vector_store %arg9[%swap3A_442, %swap3A_443], %swap3A_446 {strides = array<i32>} : memref<64x128xf32, #tpu.memory_space<vmem>>, vector<1x16xf32>,
        %get3A_447 = arith.index_cast %mul3A_238 : i32 to index
        %get3A_448 = arith.constant 112 : index
        %get3A_449 = tpu.vector_load %arg7[%get3A_447, %get3A_448] {strides = array<i32>} : memref<256x128xf32, #tpu.memory_space<vmem>>, vector<1x16xf32>,
        %get3A_450 = vector.shape_cast %get3A_449 : vector<1x16xf32> to vector<16xf32>
        %add3A_451 = arith.constant 1 : i32
        %add3A_452 = arith.addi %mul3A_238, %add3A_451 : i32
        %get3A_453 = arith.index_cast %add3A_452 : i32 to index
        %get3A_454 = arith.constant 112 : index
        %get3A_455 = tpu.vector_load %arg7[%get3A_453, %get3A_454] {strides = array<i32>} : memref<256x128xf32, #tpu.memory_space<vmem>>, vector<1x16xf32>,
        %get3A_456 = vector.shape_cast %get3A_455 : vector<1x16xf32> to vector<16xf32>
        %add3A_457 = arith.addf %get3A_450, %get3A_456 : vector<16xf32>
        %add3A_458 = arith.constant 2 : i32
        %add3A_459 = arith.addi %mul3A_238, %add3A_458 : i32
        %get3A_460 = arith.index_cast %add3A_459 : i32 to index
        %get3A_461 = arith.constant 112 : index
        %get3A_462 = tpu.vector_load %arg7[%get3A_460, %get3A_461] {strides = array<i32>} : memref<256x128xf32, #tpu.memory_space<vmem>>, vector<1x16xf32>,
        %get3A_463 = vector.shape_cast %get3A_462 : vector<1x16xf32> to vector<16xf32>
        %add3A_464 = arith.constant 3 : i32
        %add3A_465 = arith.addi %mul3A_238, %add3A_464 : i32
        %get3A_466 = arith.index_cast %add3A_465 : i32 to index
        %get3A_467 = arith.constant 112 : index
        %get3A_468 = tpu.vector_load %arg7[%get3A_466, %get3A_467] {strides = array<i32>} : memref<256x128xf32, #tpu.memory_space<vmem>>, vector<1x16xf32>,
        %get3A_469 = vector.shape_cast %get3A_468 : vector<1x16xf32> to vector<16xf32>
        %add3A_470 = arith.addf %get3A_463, %get3A_469 : vector<16xf32>
        %add3A_471 = arith.addf %add3A_457, %add3A_470 : vector<16xf32>
        %swap3A_472 = arith.index_cast %scan3A_236 : i32 to index
        %swap3A_473 = arith.constant 112 : index
        %swap3A_474 = tpu.vector_load %arg9[%swap3A_472, %swap3A_473] {strides = array<i32>} : memref<64x128xf32, #tpu.memory_space<vmem>>, vector<1x16xf32>,
        %swap3A_475 = vector.shape_cast %swap3A_474 : vector<1x16xf32> to vector<16xf32>
        %swap3A_476 = vector.shape_cast %add3A_471 : vector<16xf32> to vector<1x16xf32>
        tpu.vector_store %arg9[%swap3A_472, %swap3A_473], %swap3A_476 {strides = array<i32>} : memref<64x128xf32, #tpu.memory_space<vmem>>, vector<1x16xf32>,
      }
      %scan3A_228 = arith.constant 64 : i32
      %mul3A_229 = arith.constant 64 : i32
      %mul3A_230 = arith.muli %add3A_58, %mul3A_229 : i32
      %add3A_231 = arith.addi %mul3A_2, %mul3A_230 : i32
      %dma_start3A_232 = arith.constant 0 : i32
      %dma_start3A_233 = tpu.memref_slice %arg4[%add3A_231, %dma_start3A_232] : memref<49152x128xf32, #tpu.memory_space<hbm>> -> memref<64x128xf32, #tpu.memory_space<hbm>>
      %dma_start3A_234 = arith.constant 0 : i32
      %dma_start3A_235 = tpu.memref_slice %arg4[%add3A_231, %dma_start3A_234] : memref<49152x128xf32, #tpu.memory_space<hbm>> -> memref<64x128xf32, #tpu.memory_space<hbm>>
      tpu.enqueue_dma source(%arg9 : memref<64x128xf32, #tpu.memory_space<vmem>>) target(%dma_start3A_235 : memref<64x128xf32, #tpu.memory_space<hbm>>) target_semaphore(%arg13 : memref<!tpu.dma_semaphore, #tpu.memory_space<semaphore_mem>>)
    }
    %scan3A_40 = arith.constant 12 : i32
    %dma_wait3A = arith.constant 0 : i32
    %dma_wait3A_41 = arith.constant 0 : i32
    %dma_wait3A_42 = tpu.memref_slice %arg4[%dma_wait3A, %dma_wait3A_41] : memref<49152x128xf32, #tpu.memory_space<hbm>> -> memref<64x128xf32, #tpu.memory_space<hbm>>
    %dma_wait3A_43 = arith.constant 0 : i32
    %dma_wait3A_44 = arith.constant 0 : i32
    %dma_wait3A_45 = tpu.memref_slice %arg4[%dma_wait3A_43, %dma_wait3A_44] : memref<49152x128xf32, #tpu.memory_space<hbm>> -> memref<64x128xf32, #tpu.memory_space<hbm>>
    tpu.wait_dma2 semaphore(%arg12 : memref<!tpu.dma_semaphore, #tpu.memory_space<semaphore_mem>>) src(%arg8 : memref<64x128xf32, #tpu.memory_space<vmem>>) dst(%dma_wait3A_45 : memref<64x128xf32, #tpu.memory_space<hbm>>)
    %dma_wait3A_46 = arith.constant 0 : i32
    %dma_wait3A_47 = arith.constant 0 : i32
    %dma_wait3A_48 = tpu.memref_slice %arg4[%dma_wait3A_46, %dma_wait3A_47] : memref<49152x128xf32, #tpu.memory_space<hbm>> -> memref<64x128xf32, #tpu.memory_space<hbm>>
    %dma_wait3A_49 = arith.constant 0 : i32
    %dma_wait3A_50 = arith.constant 0 : i32
    %dma_wait3A_51 = tpu.memref_slice %arg4[%dma_wait3A_49, %dma_wait3A_50] : memref<49152x128xf32, #tpu.memory_space<hbm>> -> memref<64x128xf32, #tpu.memory_space<hbm>>
    tpu.wait_dma2 semaphore(%arg13 : memref<!tpu.dma_semaphore, #tpu.memory_space<semaphore_mem>>) src(%arg9 : memref<64x128xf32, #tpu.memory_space<vmem>>) dst(%dma_wait3A_51 : memref<64x128xf32, #tpu.memory_space<hbm>>)
    return
  }
}

module attributes {stable_mosaic.version = 14 : i64} {
  func.func @_tc_final_body(%arg0: i32, %arg1: memref<2048x128xf32, #tpu.memory_space<vmem>>, %arg2: memref<2048x128xf32, #tpu.memory_space<vmem>>, %arg3: memref<256x128xf32, #tpu.memory_space<vmem>>, %arg4: memref<1x128xf32, #tpu.memory_space<vmem>>, %arg5: memref<128x128xf32, #tpu.memory_space<vmem>>, %arg6: memref<1x128xf32, #tpu.memory_space<vmem>>, %arg7: memref<2048x128xf32, #tpu.memory_space<vmem>>) attributes {dimension_semantics = [#tpu.dimension_semantics<arbitrary>], iteration_bounds = array<i64: 24>, scalar_prefetch = 0 : i64, scratch_operands = 0 : i64, tpu.core_type = #tpu.core_type<tc>, window_params = [{transform_indices = @transform_0, window_bounds = array<i64: 2048, 128>}, {transform_indices = @transform_1, window_bounds = array<i64: 2048, 128>}, {pipeline_mode = #tpu.pipeline_mode<synchronous>, transform_indices = @transform_2, window_bounds = array<i64: 256, 128>}, {pipeline_mode = #tpu.pipeline_mode<synchronous>, transform_indices = @transform_3, window_bounds = array<i64: 1, 128>}, {pipeline_mode = #tpu.pipeline_mode<synchronous>, transform_indices = @transform_4, window_bounds = array<i64: 128, 128>}, {pipeline_mode = #tpu.pipeline_mode<synchronous>, transform_indices = @transform_5, window_bounds = array<i64: 1, 128>}, {transform_indices = @transform_6, window_bounds = array<i64: 2048, 128>}]} {
    %get3A = arith.constant 0 : index
    %get3A_0 = arith.constant 0 : index
    %get3A_1 = vector.load %arg1[%get3A, %get3A_0] : memref<2048x128xf32, #tpu.memory_space<vmem>>, vector<2048x128xf32>
    %get3A_2 = arith.constant 0 : index
    %get3A_3 = arith.constant 0 : index
    %get3A_4 = vector.load %arg3[%get3A_2, %get3A_3] : memref<256x128xf32, #tpu.memory_space<vmem>>, vector<128x128xf32>
    %dot_general3A = arith.constant dense<0.000000e+00> : vector<2048x128xf32>
    %dot_general3A_5 = tpu.matmul %get3A_1, %get3A_4, %dot_general3A {dimension_numbers = #tpu.dot_dimension_numbers<[1], [0], [0], [1], [0, 0, 1, 1], [], []>, transpose_lhs_hint = false} : vector<2048x128xf32>, vector<128x128xf32>, vector<2048x128xf32> -> vector<2048x128xf32>
    %get3A_6 = arith.constant 0 : index
    %get3A_7 = arith.constant 0 : index
    %get3A_8 = vector.load %arg2[%get3A_6, %get3A_7] : memref<2048x128xf32, #tpu.memory_space<vmem>>, vector<2048x128xf32>
    %get3A_9 = arith.constant 128 : index
    %get3A_10 = arith.constant 0 : index
    %get3A_11 = vector.load %arg3[%get3A_9, %get3A_10] : memref<256x128xf32, #tpu.memory_space<vmem>>, vector<128x128xf32>
    %dot_general3A_12 = arith.constant dense<0.000000e+00> : vector<2048x128xf32>
    %dot_general3A_13 = tpu.matmul %get3A_8, %get3A_11, %dot_general3A_12 {dimension_numbers = #tpu.dot_dimension_numbers<[1], [0], [0], [1], [0, 0, 1, 1], [], []>, transpose_lhs_hint = false} : vector<2048x128xf32>, vector<128x128xf32>, vector<2048x128xf32> -> vector<2048x128xf32>
    %add3A = arith.addf %dot_general3A_5, %dot_general3A_13 : vector<2048x128xf32>
    %get3A_14 = arith.constant 0 : index
    %get3A_15 = arith.constant 0 : index
    %get3A_16 = vector.load %arg4[%get3A_14, %get3A_15] : memref<1x128xf32, #tpu.memory_space<vmem>>, vector<1x128xf32>
    %add3A_17 = vector.broadcast %get3A_16 : vector<1x128xf32> to vector<2048x128xf32>
    %add3A_18 = arith.addf %add3A, %add3A_17 : vector<2048x128xf32>
    %max3A = arith.constant 0.000000e+00 : f32
    %max3A_19 = vector.broadcast %max3A : f32 to vector<2048x128xf32>
    %max3A_20 = arith.maximumf %add3A_18, %max3A_19 : vector<2048x128xf32>
    %get3A_21 = arith.constant 0 : index
    %get3A_22 = arith.constant 0 : index
    %get3A_23 = vector.load %arg5[%get3A_21, %get3A_22] : memref<128x128xf32, #tpu.memory_space<vmem>>, vector<128x128xf32>
    %dot_general3A_24 = arith.constant dense<0.000000e+00> : vector<2048x128xf32>
    %dot_general3A_25 = tpu.matmul %max3A_20, %get3A_23, %dot_general3A_24 {dimension_numbers = #tpu.dot_dimension_numbers<[1], [0], [0], [1], [0, 0, 1, 1], [], []>, transpose_lhs_hint = false} : vector<2048x128xf32>, vector<128x128xf32>, vector<2048x128xf32> -> vector<2048x128xf32>
    %get3A_26 = arith.constant 0 : index
    %get3A_27 = arith.constant 0 : index
    %get3A_28 = vector.load %arg6[%get3A_26, %get3A_27] : memref<1x128xf32, #tpu.memory_space<vmem>>, vector<1x128xf32>
    %add3A_29 = vector.broadcast %get3A_28 : vector<1x128xf32> to vector<2048x128xf32>
    %add3A_30 = arith.addf %dot_general3A_25, %add3A_29 : vector<2048x128xf32>
    %swap3A = arith.constant 0 : index
    %swap3A_31 = arith.constant 0 : index
    %swap3A_32 = vector.load %arg7[%swap3A, %swap3A_31] : memref<2048x128xf32, #tpu.memory_space<vmem>>, vector<2048x128xf32>
    tpu.vector_store %arg7[%swap3A, %swap3A_31], %add3A_30 {strides = array<i32>} : memref<2048x128xf32, #tpu.memory_space<vmem>>, vector<2048x128xf32>,
    return
  }
  func.func @transform_0(%arg0: i32) -> (i32, i32) {
    %c0_i32 = arith.constant 0 : i32
    %c0_i32_0 = arith.constant 0 : i32
    return %arg0, %c0_i32 : i32, i32
  }
  func.func @transform_1(%arg0: i32) -> (i32, i32) {
    %c0_i32 = arith.constant 0 : i32
    %c0_i32_0 = arith.constant 0 : i32
    return %arg0, %c0_i32 : i32, i32
  }
  func.func @transform_2(%arg0: i32) -> (i32, i32) {
    %c0_i32 = arith.constant 0 : i32
    %c0_i32_0 = arith.constant 0 : i32
    %c0_i32_1 = arith.constant 0 : i32
    return %c0_i32, %c0_i32_0 : i32, i32
  }
  func.func @transform_3(%arg0: i32) -> (i32, i32) {
    %c0_i32 = arith.constant 0 : i32
    %c0_i32_0 = arith.constant 0 : i32
    %c0_i32_1 = arith.constant 0 : i32
    return %c0_i32, %c0_i32_0 : i32, i32
  }
  func.func @transform_4(%arg0: i32) -> (i32, i32) {
    %c0_i32 = arith.constant 0 : i32
    %c0_i32_0 = arith.constant 0 : i32
    %c0_i32_1 = arith.constant 0 : i32
    return %c0_i32, %c0_i32_0 : i32, i32
  }
  func.func @transform_5(%arg0: i32) -> (i32, i32) {
    %c0_i32 = arith.constant 0 : i32
    %c0_i32_0 = arith.constant 0 : i32
    %c0_i32_1 = arith.constant 0 : i32
    return %c0_i32, %c0_i32_0 : i32, i32
  }
  func.func @transform_6(%arg0: i32) -> (i32, i32) {
    %c0_i32 = arith.constant 0 : i32
    %c0_i32_0 = arith.constant 0 : i32
    return %arg0, %c0_i32 : i32, i32
  }
}

module attributes {stable_mosaic.version = 14 : i64} {
  func.func @_tc_edge_body(%arg0: i32, %arg1: memref<4x8192xf32, #tpu.memory_space<vmem>>, %arg2: memref<4x128xf32, #tpu.memory_space<vmem>>, %arg3: memref<1x128xf32, #tpu.memory_space<vmem>>, %arg4: memref<128x128xf32, #tpu.memory_space<vmem>>, %arg5: memref<1x128xf32, #tpu.memory_space<vmem>>, %arg6: memref<2048x128xf32, #tpu.memory_space<vmem>>) attributes {dimension_semantics = [#tpu.dimension_semantics<arbitrary>], iteration_bounds = array<i64: 24>, scalar_prefetch = 0 : i64, scratch_operands = 0 : i64, tpu.core_type = #tpu.core_type<tc>, window_params = [{transform_indices = @transform_0, window_bounds = array<i64: 4, 8192>}, {pipeline_mode = #tpu.pipeline_mode<synchronous>, transform_indices = @transform_1, window_bounds = array<i64: 4, 128>}, {pipeline_mode = #tpu.pipeline_mode<synchronous>, transform_indices = @transform_2, window_bounds = array<i64: 1, 128>}, {pipeline_mode = #tpu.pipeline_mode<synchronous>, transform_indices = @transform_3, window_bounds = array<i64: 128, 128>}, {pipeline_mode = #tpu.pipeline_mode<synchronous>, transform_indices = @transform_4, window_bounds = array<i64: 1, 128>}, {transform_indices = @transform_5, window_bounds = array<i64: 2048, 128>}]} {
    %get3A = arith.constant 0 : index
    %get3A_0 = arith.constant 0 : index
    %get3A_1 = vector.load %arg1[%get3A, %get3A_0] : memref<4x8192xf32, #tpu.memory_space<vmem>>, vector<4x8192xf32>
    %get3A_2 = arith.constant 0 : index
    %get3A_3 = arith.constant 0 : index
    %get3A_4 = vector.load %arg2[%get3A_2, %get3A_3] : memref<4x128xf32, #tpu.memory_space<vmem>>, vector<4x128xf32>
    %dot_general3A = arith.constant dense<0.000000e+00> : vector<8192x128xf32>
    %dot_general3A_5 = tpu.matmul %get3A_1, %get3A_4, %dot_general3A {dimension_numbers = #tpu.dot_dimension_numbers<[0], [0], [1], [1], [0, 1, 1, 1], [], []>, transpose_lhs_hint = false} : vector<4x8192xf32>, vector<4x128xf32>, vector<8192x128xf32> -> vector<8192x128xf32>
    %get3A_6 = arith.constant 0 : index
    %get3A_7 = arith.constant 0 : index
    %get3A_8 = vector.load %arg3[%get3A_6, %get3A_7] : memref<1x128xf32, #tpu.memory_space<vmem>>, vector<1x128xf32>
    %add3A = vector.broadcast %get3A_8 : vector<1x128xf32> to vector<8192x128xf32>
    %add3A_9 = arith.addf %dot_general3A_5, %add3A : vector<8192x128xf32>
    %max3A = arith.constant 0.000000e+00 : f32
    %max3A_10 = vector.broadcast %max3A : f32 to vector<8192x128xf32>
    %max3A_11 = arith.maximumf %add3A_9, %max3A_10 : vector<8192x128xf32>
    %reshape3A = vector.shape_cast %max3A_11 : vector<8192x128xf32> to vector<2048x4x128xf32>
    %slice3A = vector.extract_strided_slice %reshape3A {offsets = [0, 0, 0], sizes = [2048, 1, 128], strides = [1, 1, 1]} : vector<2048x4x128xf32> to vector<2048x1x128xf32>
    %squeeze3A = vector.shape_cast %slice3A : vector<2048x1x128xf32> to vector<2048x128xf32>
    %slice3A_12 = vector.extract_strided_slice %reshape3A {offsets = [0, 1, 0], sizes = [2048, 1, 128], strides = [1, 1, 1]} : vector<2048x4x128xf32> to vector<2048x1x128xf32>
    %squeeze3A_13 = vector.shape_cast %slice3A_12 : vector<2048x1x128xf32> to vector<2048x128xf32>
    %add3A_14 = arith.addf %squeeze3A, %squeeze3A_13 : vector<2048x128xf32>
    %slice3A_15 = vector.extract_strided_slice %reshape3A {offsets = [0, 2, 0], sizes = [2048, 1, 128], strides = [1, 1, 1]} : vector<2048x4x128xf32> to vector<2048x1x128xf32>
    %squeeze3A_16 = vector.shape_cast %slice3A_15 : vector<2048x1x128xf32> to vector<2048x128xf32>
    %slice3A_17 = vector.extract_strided_slice %reshape3A {offsets = [0, 3, 0], sizes = [2048, 1, 128], strides = [1, 1, 1]} : vector<2048x4x128xf32> to vector<2048x1x128xf32>
    %squeeze3A_18 = vector.shape_cast %slice3A_17 : vector<2048x1x128xf32> to vector<2048x128xf32>
    %add3A_19 = arith.addf %squeeze3A_16, %squeeze3A_18 : vector<2048x128xf32>
    %add3A_20 = arith.addf %add3A_14, %add3A_19 : vector<2048x128xf32>
    %get3A_21 = arith.constant 0 : index
    %get3A_22 = arith.constant 0 : index
    %get3A_23 = vector.load %arg4[%get3A_21, %get3A_22] : memref<128x128xf32, #tpu.memory_space<vmem>>, vector<128x128xf32>
    %dot_general3A_24 = arith.constant dense<0.000000e+00> : vector<2048x128xf32>
    %dot_general3A_25 = tpu.matmul %add3A_20, %get3A_23, %dot_general3A_24 {dimension_numbers = #tpu.dot_dimension_numbers<[1], [0], [0], [1], [0, 0, 1, 1], [], []>, transpose_lhs_hint = false} : vector<2048x128xf32>, vector<128x128xf32>, vector<2048x128xf32> -> vector<2048x128xf32>
    %get3A_26 = arith.constant 0 : index
    %get3A_27 = arith.constant 0 : index
    %get3A_28 = vector.load %arg5[%get3A_26, %get3A_27] : memref<1x128xf32, #tpu.memory_space<vmem>>, vector<1x128xf32>
    %mul3A = arith.constant 4.000000e+00 : f32
    %mul3A_29 = vector.broadcast %mul3A : f32 to vector<1x128xf32>
    %mul3A_30 = arith.mulf %mul3A_29, %get3A_28 : vector<1x128xf32>
    %add3A_31 = vector.broadcast %mul3A_30 : vector<1x128xf32> to vector<2048x128xf32>
    %add3A_32 = arith.addf %dot_general3A_25, %add3A_31 : vector<2048x128xf32>
    %swap3A = arith.constant 0 : index
    %swap3A_33 = arith.constant 0 : index
    %swap3A_34 = vector.load %arg6[%swap3A, %swap3A_33] : memref<2048x128xf32, #tpu.memory_space<vmem>>, vector<2048x128xf32>
    tpu.vector_store %arg6[%swap3A, %swap3A_33], %add3A_32 {strides = array<i32>} : memref<2048x128xf32, #tpu.memory_space<vmem>>, vector<2048x128xf32>,
    return
  }
  func.func @transform_0(%arg0: i32) -> (i32, i32) {
    %c0_i32 = arith.constant 0 : i32
    %c0_i32_0 = arith.constant 0 : i32
    return %c0_i32, %arg0 : i32, i32
  }
  func.func @transform_1(%arg0: i32) -> (i32, i32) {
    %c0_i32 = arith.constant 0 : i32
    %c0_i32_0 = arith.constant 0 : i32
    %c0_i32_1 = arith.constant 0 : i32
    return %c0_i32, %c0_i32_0 : i32, i32
  }
  func.func @transform_2(%arg0: i32) -> (i32, i32) {
    %c0_i32 = arith.constant 0 : i32
    %c0_i32_0 = arith.constant 0 : i32
    %c0_i32_1 = arith.constant 0 : i32
    return %c0_i32, %c0_i32_0 : i32, i32
  }
  func.func @transform_3(%arg0: i32) -> (i32, i32) {
    %c0_i32 = arith.constant 0 : i32
    %c0_i32_0 = arith.constant 0 : i32
    %c0_i32_1 = arith.constant 0 : i32
    return %c0_i32, %c0_i32_0 : i32, i32
  }
  func.func @transform_4(%arg0: i32) -> (i32, i32) {
    %c0_i32 = arith.constant 0 : i32
    %c0_i32_0 = arith.constant 0 : i32
    %c0_i32_1 = arith.constant 0 : i32
    return %c0_i32, %c0_i32_0 : i32, i32
  }
  func.func @transform_5(%arg0: i32) -> (i32, i32) {
    %c0_i32 = arith.constant 0 : i32
    %c0_i32_0 = arith.constant 0 : i32
    return %arg0, %c0_i32 : i32, i32
  }
}

</mosaic_0001>

<sc_bundles>
// kernel: kernel.5.cloned.1.call-start
scs
__scs_entry_jumppad:
0x0: {  	(pc) =	sbr.rel $0x88, $3  }
0x1: {  	(tag) =	ssettag $0x0;
	lr =	simm.s32 $0x1  }
0x2: {  	[smem:$0x3F96] =	sst lr;
	_ =	strace $0xD0000000  }
0x3: {  	_ = 	snop  }
0x4: {  	_ = 	snop  }
0x5: {  	_ = 	snop  }
0x6: {  	_ = 	snop  }
0x7: {  	_ = 	snop  }
__scs_overlays_trampoline_lowered:
0x8: {  	[smem:$0x3FA5] =	sst s0  }
0x9: {  	[smem:$0x3FA6] =	sst s1  }
0xa: {  	[smem:$0x3FA7] =	sst s2  }
0xb: {  	[smem:$0x3FA8] =	sst s3  }
0xc: {  	[smem:$0x3FA9] =	sst s4  }
0xd: {  	[smem:$0x3FAA] =	sst s5  }
0xe: {  	[smem:$0x3FAB] =	sst s6  }
0xf: {  	[smem:$0x3FAC] =	sst s7  }
0x10: {  	[smem:$0x3FAD] =	sst s8  }
0x11: {  	[smem:$0x3FAE] =	sst s9;
	s0 =	simm.s32 @!p0 $0x0  }
0x12: {  	s1 =	sld [smem:$0x3F94];
	s0 =	simm.s32 @p0 $0x1  }
0x13: {  	[smem:$0x3FAF] =	sst s0;
	s0 =	simm.s32 @!p1 $0x0  }
0x14: {  	s2 =	sld [smem:$0x3F93];
	s0 =	simm.s32 @p1 $0x1  }
0x15: {  	[smem:$0x3FB0] =	sst s0;
	s0 =	simm.s32 @!p2 $0x0  }
0x16: {  	s3 =	sld [smem:$0x3FDB];
	s0 =	simm.s32 @p2 $0x1  }
0x17: {  	s4 =	simm.s32 $0x1BF5;
	[smem:$0x3FB2] =	sst s0  }
0x18: {  	s0 =	sld [smem:$0x3F95];
	_ =	swait.ge [sflag:s4], $0x0  }
0x19: {  	s7 =	sld [smem:$0x3F96]  }
0x1a: {  	s8 =	sadd.s32 $0xFFFFE003, lr  }
0x1b: {  	s9 =	sadd.s32 $0xFFFFFEF7, lr;
	s5 =	simm.s32 $0xFFFFFFFF;
	p2 =	slt.u32 s8, $0xFFFFF086  }
0x1c: {  	p1 =	slt.u32 s9, $0xF7A;
	s5 =	simm.s32 @!p2 $0x0  }
0x1d: {  	s5 =	simm.s32 @p1 $0x1;
	p0 =	seq.s32 s7, s2  }
0x1e: {  	s7 =	smul.u32 @!p0 $0xF7A, s2;
	p2 =	seq.s32 @!p0 s5, $0x0  }
0x1f: {  	s9 =	smul.u32 $0xF7A, s1;
	s8 =	simm.s32 @!p0 $0x1BF5;
	p2 =	por !p2, p0  }
0x20: {  	[sflag:s8] =	ssyncset.s32 @!p0 $0xFFFFF086;
	s6 =	sadd.s32 @!p0 s3, s7;
	s7 =	simm.s32 @!p0 $0x108  }
0x21: {  	s3 =	sadd.s32 s3, s9;
	s6 =	sadd.s32 @!p0 $0x88, s6;
	s7 =	simm.s32 @p2 $0x1082  }
0x22: {  	[simem:s7], [sflag:s8] =	dma.local @!p0 [hbm:s6], $0xF7A  }
0x23: {  	s9 =	sor.u32 $0xD0000000, s2;
	s6 =	simm.s32 $0x108;
	_ =	swait.ge @!p0 [sflag:s8], $0x0  }
0x24: {  	s3 =	sadd.s32 $0x88, s3;
	s6 =	simm.s32 @!p1 $0x1082;
	[sflag:s4] =	ssyncset.s32 $0xFFFFF086  }
0x25: {  	[simem:s6], [sflag:s4] =	dma.local [hbm:s3], $0xF7A  }
0x26: {  	[smem:$0x3F96] =	sst s1;
	(tag) =	ssettag s2;
	_ =	strace s9  }
0x27: {  	s1 =	sld [smem:$0x3FA6]  }
0x28: {  	s2 =	sld [smem:$0x3FA7]  }
0x29: {  	s4 =	sld [smem:$0x3FA9]  }
0x2a: {  	p0 =	seq.s32 s5, $0x0;
	s5 =	sld [smem:$0x3FAA]  }
0x2b: {  	s6 =	sld [smem:$0x3FAB]  }
0x2c: {  	s7 =	sld [smem:$0x3FAC]  }
0x2d: {  	s3 =	simm.s32 $0x108;
	s8 =	sld [smem:$0x3FAD]  }
0x2e: {  	s3 =	simm.s32 @!p0 $0x1082;
	s9 =	sld [smem:$0x3FAE]  }
0x2f: {  	lr =	sadd.s32 s0, s3;
	s0 =	sld [smem:$0x3FA5]  }
0x30: {  	s3 =	sld [smem:$0x3FA8]  }
0x31: {  	[smem:$0x3FB1] =	sst s10  }
0x32: {  	s10 =	sld [smem:$0x3FAF];
	_ =	sdelay $0x3  }
0x33: {  	p0 =	seq.s32 s10, $0x1;
	s10 =	sld [smem:$0x3FB1];
	_ =	sdelay $0x3  }
0x34: {  	[smem:$0x3FB1] =	sst s10  }
0x35: {  	s10 =	sld [smem:$0x3FB0];
	_ =	sdelay $0x3  }
0x36: {  	p1 =	seq.s32 s10, $0x1;
	s10 =	sld [smem:$0x3FB1];
	_ =	sdelay $0x3  }
0x37: {  	[smem:$0x3FB1] =	sst s10  }
0x38: {  	s10 =	sld [smem:$0x3FB2]  }
0x39: {  	_ = 	snop;
	(pc) =	sbr.ind lr, $3  }
0x3a: {  	_ = 	snop  }
0x3b: {  	_ = 	snop  }
0x3c: {  	p2 =	seq.s32 s10, $0x1;
	s10 =	sld [smem:$0x3FB1]  }
0x3d: {  	_ =	shalt  }
0x3e: {  	_ =	shalt  }
0x3f: {  	_ =	shalt  }
0x40: {  	_ =	shalt  }
0x41: {  	_ =	shalt  }
0x42: {  	_ =	shalt  }
0x43: {  	_ =	shalt  }
0x44: {  	_ =	shalt  }
0x45: {  	_ =	shalt  }
0x46: {  	_ =	shalt  }
0x47: {  	_ =	shalt  }
0x48: {  	_ =	shalt  }
0x49: {  	_ =	shalt  }
0x4a: {  	_ =	shalt  }
0x4b: {  	_ =	shalt  }
0x4c: {  	_ =	shalt  }
0x4d: {  	_ =	shalt  }
0x4e: {  	_ =	shalt  }
0x4f: {  	_ =	shalt  }
0x50: {  	_ =	shalt  }
0x51: {  	_ =	shalt  }
0x52: {  	_ =	shalt  }
0x53: {  	_ =	shalt  }
0x54: {  	_ =	shalt  }
0x55: {  	_ =	shalt  }
0x56: {  	_ =	shalt  }
0x57: {  	_ =	shalt  }
0x58: {  	_ =	shalt  }
0x59: {  	_ =	shalt  }
0x5a: {  	_ =	shalt  }
0x5b: {  	_ =	shalt  }
0x5c: {  	_ =	shalt  }
0x5d: {  	_ =	shalt  }
0x5e: {  	_ =	shalt  }
0x5f: {  	_ =	shalt  }
0x60: {  	_ =	shalt  }
0x61: {  	_ =	shalt  }
0x62: {  	_ =	shalt  }
0x63: {  	_ =	shalt  }
0x64: {  	_ =	shalt  }
0x65: {  	_ =	shalt  }
0x66: {  	_ =	shalt  }
0x67: {  	_ =	shalt  }
0x68: {  	_ =	shalt  }
0x69: {  	_ =	shalt  }
0x6a: {  	_ =	shalt  }
0x6b: {  	_ =	shalt  }
0x6c: {  	_ =	shalt  }
0x6d: {  	_ =	shalt  }
0x6e: {  	_ =	shalt  }
0x6f: {  	_ =	shalt  }
0x70: {  	_ =	shalt  }
0x71: {  	_ =	shalt  }
0x72: {  	_ =	shalt  }
0x73: {  	_ =	shalt  }
0x74: {  	_ =	shalt  }
0x75: {  	_ =	shalt  }
0x76: {  	_ =	shalt  }
0x77: {  	_ =	shalt  }
0x78: {  	_ =	shalt  }
0x79: {  	_ =	shalt  }
0x7a: {  	_ =	shalt  }
0x7b: {  	_ =	shalt  }
0x7c: {  	_ =	shalt  }
0x7d: {  	_ =	shalt  }
0x7e: {  	_ =	shalt  }
0x7f: {  	_ =	shalt  }
0x80: {  	_ =	shalt  }
0x81: {  	_ =	shalt  }
0x82: {  	_ =	shalt  }
0x83: {  	_ =	shalt  }
0x84: {  	_ =	shalt  }
0x85: {  	_ =	shalt  }
0x86: {  	_ =	shalt  }
0x87: {  	_ =	shalt  }
.Lfunc_end0:
.L_simem_size_0:
called_computation_lowered:
.L_overlay_start_0:
0x88: {  	s2 =	sld [smem:$0x3FD9]  }
0x89: {  	s3 =	sld [smem:$0x3FFE];
	_ =	sdelay $0x1  }
0x8a: {  	s1 =	srdreg.scid  }
0x8b: {  	s0 =	sand.u32 $0x1, s1  }
0x8c: {  	s17 =	sshll.u32 s0, $0xA;
	s2 =	sadd.s32 s3, s2  }
0x8d: {  	s2 =	sadd.s32 s2, s17  }
0x8e: {  	[smem:$0x3FBD] =	sst s2  }
0x8f: {  	_ = 	snop  }
0x90: {  	s2 =	sld [smem:$0x3FC9]  }
0x91: {  	s18 =	sld [smem:$0x3FC8];
	(tm) =	ssettm $0x1  }
0x92: {  	s4 =	sld [smem:$0x3FFB];
	_ =	sdelay $0x3  }
0x93: {  	_ =	strace s4  }
0x94: {  	s4 =	sld [smem:$0x3FFC];
	_ =	sdelay $0x3  }
0x95: {  	_ =	strace s4  }
0x96: {  	s4 =	sld [smem:$0x3FFD];
	_ =	sdelay $0x3  }
0x97: {  	_ =	strace s4  }
0x98: {  	_ =	strace $0x8FFFFFFF  }
0x99: {  	s19 =	sld [smem:$0x3FDB];
	_ =	sdelay $0x1  }
0x9a: {  	s5 =	simm.s32 $_scs_section_size  }
0x9b: {  	s6 =	simm.s32 $_size__tile_overlayer_lowered;
	s7 =	simm.s32 $_tile_overlayer_lowered  }
0x9c: {  	s22 =	simm.s32 $0x1BFF;
	s21 =	sshll.u32 s7, $0x1;
	s4 =	sadd.s32 s5, s19  }
0x9d: {  	s8 =	simm.s32 $0x0;
	s20 =	sshll.u32 s6, $0x1;
	s6 =	sadd.s32 s21, s4  }
0x9e: {  	[timem:s8], [sflag:s22] =	dma.local [hbm:s6], s20  }
0x9f: {  	_ =	swait.ge [sflag:s22], s20  }
0xa0: {  	s5 =	ssub.s32 $0x0, s20;
	[sflag:s22] =	ssyncset.done $0x0  }
0xa1: {  	[sflag:s22] =	ssyncadd.s32 s5;
	_ =	sdelay $0x1  }
0xa2: {  	s23 =	simm.s32 $0x1B8B  }
0xa3: {  	_ =	swait.ge [sflag:s23], $0x1  }
0xa4: {  	[sflag:s23] =	ssyncset.done $0x0  }
0xa5: {  	s25 =	simm.s32 $0x1B8E;
	s24 =	sld [smem:$0x3FFE];
	[sflag:s23] =	ssyncadd.s32 $0xFFFFFFFF  }
0xa6: {  	s26 =	simm.s32 $execute0_lowered;
	[smem:$0x3FD2] =	sst s25  }
0xa7: {  	s6 =	sshll.u32 s26, $0x1;
	_ =	strace $0x80000046;
	[dreg:$0x1] =	wrdreg $0xFFFFFFFF  }
0xa8: {  	s28 =	simm.s32 $_size_execute0_lowered;
	s4 =	sadd.s32 s4, s6;
	[dreg:$0x0] =	wrdreg $0x0  }
0xa9: {  	s6 =	sshll.u32 s28, $0x1;
	[dreg:$0x2] =	wrdreg s4  }
0xaa: {  	[dreg:$0x3] =	wrdreg s6  }
0xab: {  	[dreg:$0x4] =	wrdreg $0xC0  }
0xac: {  	_ =	task [dreg:s8], $0x5FFFF  }
0xad: {  	[dreg:$0x1] =	wrdreg $0xFFFFFFFF  }
0xae: {  	[dreg:$0x0] =	wrdreg $0x60  }
0xaf: {  	[dreg:$0x2] =	wrdreg s2  }
0xb0: {  	[dreg:$0x3] =	wrdreg s18  }
0xb1: {  	[dreg:$0x4] =	wrdreg s24  }
0xb2: {  	[dreg:$0x5] =	wrdreg $0x9  }
0xb3: {  	_ =	task.clear_ibuf [dreg:s8], $0x6FFFF;
	_ =	strace $0x90000046  }
0xb4: {  	s29 =	simm.s32 $0x9;
	_ =	strace $0x80000048  }
0xb5: {  	_ =	swait.ge [sflag:s29], $0x1  }
0xb6: {  	[sflag:s29] =	ssyncadd.s32 $0xFFFFFFFF  }
0xb7: {  	_ =	strace $0x90000048  }
0xb8: {  	_ =	sfence  }
0xb9: {  	s30 =	sld [smem:$0x0];
	_ =	sdelay $0x2  }
0xba: {  	s31 =	sshll.u32 s1, $0xD;
	s1 =	sshrl.u32 s1, $0x2  }
0xbb: {  	s3 =	sand.u32 $0x4000, s31;
	s1 =	sadd.s32 s1, s30  }
0xbc: {  	s0 =	sor.u32 s3, s0;
	s1 =	sshll.u32 s1, $0x11  }
0xbd: {  	s0 =	sor.u32 s1, s0  }
0xbe: {  	s0 =	sadd.s32 $0x8F2B, s0  }
0xbf: {  	[sflag:s0] =	ssyncadd.remote.s32 $0x1  }
0xc0: {  	_ =	sfence.sel $0xFFFF  }
0xc1: {  	[dreg:$0x0] =	wrdreg $0xFFFFFFFF;
	(pc) =	sbr.abs _section_cstart, $3  }
0xc2: {  	[dreg:$0x1] =	wrdreg $0xFFFFFFFF  }
0xc3: {  	_ =	task.clear_ibuf [dreg:s8], $0x2FFFF;
	_ =	strace $0x9FFFFFFF  }
0xc4: {  	(tm) =	ssettm $0x7FFFFFFF  }
0xc5: {  	_ =	shalt  }
tec
execute0_lowered:
.L_overlay_start_1:
0x0: {  	(tag) =	ssettag $0x1  }
0x1: {  	s1 =	rddreg [dreg:$0x0]  }
0x2: {  	s0 =	rddreg [dreg:$0x1]  }
0x3: {  	s2 =	srdreg.scid;
	s3 =	stileid.u32  }
0x4: {  	s4 =	rddreg [dreg:$0x2];
	s8 =	simm.s32 $0x80;
	s10 =	simm.s32 $0x5  }
0x5: {  	s11 =	simm.s32 $0x40;
	s13 =	simm.s32 $0x3800;
	s14 =	simm.s32 $0x5800  }
0x6: {  	s15 =	simm.s32 $0xC0;
	s16 =	simm.s32 $0x7800;
	s17 =	simm.s32 $0x9800  }
0x7: {  	s18 =	simm.s32 $0xB800;
	s19 =	simm.s32 $0xD800;
	s20 =	simm.s32 $0xF800  }
0x8: {  	s21 =	simm.s32 $0x1;
	s22 =	simm.s32 $0x11800;
	s23 =	simm.s32 $0x2  }
0x9: {  	s24 =	simm.s32 $0x13800;
	s25 =	simm.s32 $0x3;
	s26 =	simm.s32 $0x4  }
0xa: {  	s28 =	simm.s32 $0x0;
	s2 =	sand.u32 $0x1, s2;
	s5 =	sshll.u32 s3, $0x1  }
0xb: {  	s3 =	simm.s32 $0x0;
	s6 =	sor.u32 s2, s5;
	s2 =	ssub.s32 $0x2, s2  }
0xc: {  	[smem:$0x7FF] =	sst s3;
	s5 =	smul.u32 $0x600, s6;
	s7 =	sshrl.u32 s2, $0x1  }
0xd: {  	s4 =	sadd.s32 $0x1600, s4;
	_ =	strace $0x80000047;
	s2 =	ssub.s32 s2, s7  }
0xe: {  	s6 =	smul.u32 $0x30000, s6;
	s5 =	sadd.s32 s0, s5;
	s7 =	smax.u32 s2, $0x1  }
.LBB2_1:
0xf: {  	s0 =	simm.s32 $0x100  }
0x10: {  	[tilespmem:s3], [sflag:$0x5] =	stream.strided.gather [hbm4b:s5+s8], $0x1800, s0, s8, $0x38;
	[tilespmem:$0x15800] =	vst v63  }
0x11: {  	_ =	swait.ge [sflag:s10], $0x1800  }
0x12: {  	[sflag:s10] =	ssyncset.done $0x0  }
0x13: {  	s31 =	simm.s32 $0x1800;
	[sflag:s10] =	ssyncadd.s32 $0xFFFFE800  }
0x14: {  	[tilespmem:s31], [sflag:$0x1] =	stream.indirect.gather [hbm4b:s1+s11], $0x80, s3, s11, $0xb8;
	[tilespmem:$0x15800] =	vst v63  }
0x15: {  	_ = 	snop  }
0x16: {  	[tilespmem:s13], [sflag:$0x1] =	stream.indirect.gather [hbm4b:s1+s11], $0x80, s11, s11, $0xb8;
	[tilespmem:$0x15800] =	vst v63  }
0x17: {  	_ = 	snop  }
0x18: {  	[tilespmem:s14], [sflag:$0x1] =	stream.indirect.gather [hbm4b:s1+s11], $0x80, s8, s11, $0xb8;
	[tilespmem:$0x15800] =	vst v63  }
0x19: {  	s29 =	simm.s32 $0x0  }
0x1a: {  	[tilespmem:s16], [sflag:$0x1] =	stream.indirect.gather [hbm4b:s1+s11], $0x80, s15, s11, $0xb8;
	[tilespmem:$0x15800] =	vst v63  }
.LBB2_2:
0x1b: {  	s30 =	sshllo.u32 s29, $0x1  }
0x1c: {  	s0 =	sshll.u32 s30, $0x8  }
0x1d: {  	s0 =	sand.u32 $0x3FFFFF00, s0  }
0x1e: {  	[tilespmem:s17], [sflag:$0x2] =	stream.indirect.gather [hbm4b:s1+s11], $0x80, s0, s11, $0xb8;
	[tilespmem:$0x15800] =	vst v63  }
0x1f: {  	s2 =	sor.u32 $0x40, s0  }
0x20: {  	[tilespmem:s18], [sflag:$0x2] =	stream.indirect.gather [hbm4b:s1+s11], $0x80, s2, s11, $0xb8;
	[tilespmem:$0x15800] =	vst v63  }
0x21: {  	s12 =	sor.u32 $0x80, s0  }
0x22: {  	[tilespmem:s19], [sflag:$0x2] =	stream.indirect.gather [hbm4b:s1+s11], $0x80, s12, s11, $0xb8;
	[tilespmem:$0x15800] =	vst v63  }
0x23: {  	s0 =	sor.u32 $0xC0, s0  }
0x24: {  	[tilespmem:s20], [sflag:$0x2] =	stream.indirect.gather [hbm4b:s1+s11], $0x80, s0, s11, $0xb8;
	[tilespmem:$0x15800] =	vst v63  }
0x25: {  	_ =	swait.ge [sflag:s21], $0x2000  }
0x26: {  	[sflag:s21] =	ssyncset.done $0x0  }
0x27: {  	[sflag:s21] =	ssyncadd.s32 $0xFFFFE000  }
0x28: {  	_ =	swait.ge [sflag:s21], $0x2000  }
0x29: {  	[sflag:s21] =	ssyncset.done $0x0  }
0x2a: {  	[sflag:s21] =	ssyncadd.s32 $0xFFFFE000  }
0x2b: {  	_ =	swait.ge [sflag:s21], $0x2000  }
0x2c: {  	[sflag:s21] =	ssyncset.done $0x0  }
0x2d: {  	[sflag:s21] =	ssyncadd.s32 $0xFFFFE000  }
0x2e: {  	_ =	swait.ge [sflag:s21], $0x2000  }
0x2f: {  	p0 =	seq.s32 s29, $0x0;
	[sflag:s21] =	ssyncset.done $0x0  }
0x30: {  	s0 =	simm.s32 @!p0 $0x3;
	[sflag:s21] =	ssyncadd.s32 $0xFFFFE000  }
0x31: {  	_ =	swait.ge @!p0 [sflag:s0], $0x2000  }
0x32: {  	[sflag:s0] =	ssyncset.done @!p0 $0x0  }
0x33: {  	s31 =	simm.s32 $0x1900;
	[sflag:s0] =	ssyncadd.s32 @!p0 $0xFFFFE000  }
0x34: {  	v0 =	vld [tilespmem:s31+$0xFFFFFF00]  }
0x35: {  	v1 =	vld [tilespmem:s31+$0x80]  }
0x36: {  	v2 =	vld [tilespmem:s31+$0x0]  }
0x37: {  	v3 =	vld [tilespmem:s31+$0xFFFFFF80];
	_ =	sdelay $0x4  }
0x38: {  	v1 =	vadd.f32 v1, v2;
	v0 =	vadd.f32 v3, v0;
	_ =	sdelay $0x1  }
0x39: {  	v0 =	vadd.f32 v1, v0  }
0x3a: {  	s2 =	simm.s32 $0x0  }
0x3b: {  	[tilespmem:s2+$0x11800] =	vst v0  }
0x3c: {  	v0 =	vld [tilespmem:s31+$0x90]  }
0x3d: {  	v1 =	vld [tilespmem:s31+$0xFFFFFF90]  }
0x3e: {  	v2 =	vld [tilespmem:s31+$0x10]  }
0x3f: {  	v3 =	vld [tilespmem:s31+$0xFFFFFF10];
	_ =	sdelay $0x4  }
0x40: {  	v0 =	vadd.f32 v0, v2;
	v1 =	vadd.f32 v1, v3;
	_ =	sdelay $0x1  }
0x41: {  	v0 =	vadd.f32 v0, v1;
	_ =	sdelay $0x1  }
0x42: {  	[tilespmem:s2+$0x11810] =	vst v0  }
0x43: {  	v0 =	vld [tilespmem:s31+$0xFFFFFF20]  }
0x44: {  	v1 =	vld [tilespmem:s31+$0xFFFFFFA0]  }
0x45: {  	v2 =	vld [tilespmem:s31+$0xA0]  }
0x46: {  	v3 =	vld [tilespmem:s31+$0x20];
	_ =	sdelay $0x4  }
0x47: {  	v0 =	vadd.f32 v1, v0;
	v1 =	vadd.f32 v2, v3;
	_ =	sdelay $0x1  }
0x48: {  	v0 =	vadd.f32 v1, v0;
	_ =	sdelay $0x1  }
0x49: {  	[tilespmem:s2+$0x11820] =	vst v0  }
0x4a: {  	v0 =	vld [tilespmem:s31+$0xB0]  }
0x4b: {  	v1 =	vld [tilespmem:s31+$0xFFFFFFB0]  }
0x4c: {  	v2 =	vld [tilespmem:s31+$0xFFFFFF30]  }
0x4d: {  	v3 =	vld [tilespmem:s31+$0x30];
	_ =	sdelay $0x4  }
0x4e: {  	v1 =	vadd.f32 v1, v2;
	v0 =	vadd.f32 v0, v3;
	_ =	sdelay $0x1  }
0x4f: {  	v0 =	vadd.f32 v0, v1;
	_ =	sdelay $0x1  }
0x50: {  	[tilespmem:s2+$0x11830] =	vst v0  }
0x51: {  	v0 =	vld [tilespmem:s31+$0xC0]  }
0x52: {  	v1 =	vld [tilespmem:s31+$0xFFFFFFC0]  }
0x53: {  	v2 =	vld [tilespmem:s31+$0x40]  }
0x54: {  	v3 =	vld [tilespmem:s31+$0xFFFFFF40];
	_ =	sdelay $0x4  }
0x55: {  	v0 =	vadd.f32 v0, v2;
	v1 =	vadd.f32 v1, v3;
	_ =	sdelay $0x1  }
0x56: {  	v0 =	vadd.f32 v0, v1;
	_ =	sdelay $0x1  }
0x57: {  	[tilespmem:s2+$0x11840] =	vst v0  }
0x58: {  	v0 =	vld [tilespmem:s31+$0xFFFFFFD0]  }
0x59: {  	v1 =	vld [tilespmem:s31+$0xFFFFFF50]  }
0x5a: {  	v2 =	vld [tilespmem:s31+$0xD0]  }
0x5b: {  	v3 =	vld [tilespmem:s31+$0x50];
	_ =	sdelay $0x4  }
0x5c: {  	v0 =	vadd.f32 v0, v1;
	v1 =	vadd.f32 v2, v3;
	_ =	sdelay $0x1  }
0x5d: {  	v0 =	vadd.f32 v1, v0;
	_ =	sdelay $0x1  }
0x5e: {  	[tilespmem:s2+$0x11850] =	vst v0  }
0x5f: {  	v0 =	vld [tilespmem:s31+$0xE0]  }
0x60: {  	v1 =	vld [tilespmem:s31+$0xFFFFFFE0]  }
0x61: {  	v2 =	vld [tilespmem:s31+$0xFFFFFF60]  }
0x62: {  	s9 =	simm.s32 $0x200;
	s0 =	simm.s32 $0x1900;
	v3 =	vld [tilespmem:s31+$0x60]  }
.LBB2_3:
0x63: {  	p1 =	sne.s32 s9, $0x7E00  }
0x64: {  	s31 =	sadd.s32 $0x200, s31;
	s12 =	smov.u32 s9;
	s9 =	sadd.s32 $0x200, s9  }
0x65: {  	_ =	sdelay $0x1  }
0x66: {  	v1 =	vadd.f32 v1, v2  }
0x67: {  	v0 =	vadd.f32 v0, v3;
	_ =	sdelay $0x1  }
0x68: {  	v0 =	vadd.f32 v0, v1;
	_ =	sdelay $0x1  }
0x69: {  	[tilespmem:s2+$0x11860] =	vst v0  }
0x6a: {  	v0 =	vld [tilespmem:s0+$0xFFFFFF70]  }
0x6b: {  	v1 =	vld [tilespmem:s0+$0xF0]  }
0x6c: {  	v2 =	vld [tilespmem:s0+$0x70]  }
0x6d: {  	v3 =	vld [tilespmem:s0+$0xFFFFFFF0];
	s0 =	smov.u32 s31;
	_ =	sdelay $0x3  }
0x6e: {  	v1 =	vadd.f32 v1, v2  }
0x6f: {  	v0 =	vadd.f32 v3, v0;
	_ =	sdelay $0x1  }
0x70: {  	v0 =	vadd.f32 v1, v0;
	_ =	sdelay $0x1  }
0x71: {  	[tilespmem:s2+$0x11870] =	vst v0  }
0x72: {  	v0 =	vld [tilespmem:s31+$0xFFFFFF00]  }
0x73: {  	v1 =	vld [tilespmem:s31+$0x80]  }
0x74: {  	v2 =	vld [tilespmem:s31+$0x0]  }
0x75: {  	v3 =	vld [tilespmem:s31+$0xFFFFFF80];
	_ =	sdelay $0x3  }
0x76: {  	v1 =	vadd.f32 v1, v2  }
0x77: {  	v0 =	vadd.f32 v3, v0;
	_ =	sdelay $0x1  }
0x78: {  	v0 =	vadd.f32 v1, v0  }
0x79: {  	s2 =	sshra.s32 s12, $0x2  }
0x7a: {  	[tilespmem:s2+$0x11800] =	vst v0  }
0x7b: {  	v0 =	vld [tilespmem:s31+$0x90]  }
0x7c: {  	v1 =	vld [tilespmem:s31+$0xFFFFFF90]  }
0x7d: {  	v2 =	vld [tilespmem:s31+$0x10]  }
0x7e: {  	v3 =	vld [tilespmem:s31+$0xFFFFFF10];
	_ =	sdelay $0x3  }
0x7f: {  	v0 =	vadd.f32 v0, v2  }
0x80: {  	v1 =	vadd.f32 v1, v3;
	_ =	sdelay $0x1  }
0x81: {  	v0 =	vadd.f32 v0, v1;
	_ =	sdelay $0x1  }
0x82: {  	[tilespmem:s2+$0x11810] =	vst v0  }
0x83: {  	v0 =	vld [tilespmem:s31+$0xFFFFFF20]  }
0x84: {  	v1 =	vld [tilespmem:s31+$0xFFFFFFA0]  }
0x85: {  	v2 =	vld [tilespmem:s31+$0xA0]  }
0x86: {  	v3 =	vld [tilespmem:s31+$0x20];
	_ =	sdelay $0x2  }
0x87: {  	v0 =	vadd.f32 v1, v0;
	_ =	sdelay $0x1  }
0x88: {  	v1 =	vadd.f32 v2, v3;
	_ =	sdelay $0x1  }
0x89: {  	v0 =	vadd.f32 v1, v0;
	_ =	sdelay $0x1  }
0x8a: {  	[tilespmem:s2+$0x11820] =	vst v0  }
0x8b: {  	v0 =	vld [tilespmem:s31+$0xB0]  }
0x8c: {  	v1 =	vld [tilespmem:s31+$0xFFFFFFB0]  }
0x8d: {  	v2 =	vld [tilespmem:s31+$0xFFFFFF30]  }
0x8e: {  	v3 =	vld [tilespmem:s31+$0x30];
	_ =	sdelay $0x3  }
0x8f: {  	v1 =	vadd.f32 v1, v2  }
0x90: {  	v0 =	vadd.f32 v0, v3;
	_ =	sdelay $0x1  }
0x91: {  	v0 =	vadd.f32 v0, v1;
	_ =	sdelay $0x1  }
0x92: {  	[tilespmem:s2+$0x11830] =	vst v0  }
0x93: {  	v0 =	vld [tilespmem:s31+$0xC0]  }
0x94: {  	v1 =	vld [tilespmem:s31+$0xFFFFFFC0]  }
0x95: {  	v2 =	vld [tilespmem:s31+$0x40]  }
0x96: {  	v3 =	vld [tilespmem:s31+$0xFFFFFF40];
	_ =	sdelay $0x3  }
0x97: {  	v0 =	vadd.f32 v0, v2  }
0x98: {  	v1 =	vadd.f32 v1, v3;
	_ =	sdelay $0x1  }
0x99: {  	v0 =	vadd.f32 v0, v1;
	_ =	sdelay $0x1  }
0x9a: {  	[tilespmem:s2+$0x11840] =	vst v0  }
0x9b: {  	v0 =	vld [tilespmem:s31+$0xFFFFFFD0]  }
0x9c: {  	v1 =	vld [tilespmem:s31+$0xFFFFFF50]  }
0x9d: {  	v2 =	vld [tilespmem:s31+$0xD0]  }
0x9e: {  	v3 =	vld [tilespmem:s31+$0x50];
	_ =	sdelay $0x2  }
0x9f: {  	v0 =	vadd.f32 v0, v1;
	_ =	sdelay $0x1  }
0xa0: {  	v1 =	vadd.f32 v2, v3;
	_ =	sdelay $0x1  }
0xa1: {  	v0 =	vadd.f32 v1, v0;
	_ =	sdelay $0x1  }
.Ltmp0:
0xa2: {  	[tilespmem:s2+$0x11850] =	vst v0;
	(pc) =	sbr.rel @p1 .LBB2_3-.Ltmp0, $4  }
0xa3: {  	v0 =	vld [tilespmem:s31+$0xE0]  }
0xa4: {  	v1 =	vld [tilespmem:s31+$0xFFFFFFE0]  }
0xa5: {  	v2 =	vld [tilespmem:s31+$0xFFFFFF60]  }
0xa6: {  	v3 =	vld [tilespmem:s31+$0x60]  }
0xa7: {  	_ =	sdelay $0x3  }
0xa8: {  	v1 =	vadd.f32 v1, v2;
	v0 =	vadd.f32 v0, v3;
	_ =	sdelay $0x1  }
0xa9: {  	v0 =	vadd.f32 v0, v1;
	_ =	sdelay $0x1  }
0xaa: {  	[tilespmem:s2+$0x11860] =	vst v0  }
0xab: {  	v0 =	vld [tilespmem:s0+$0xFFFFFF70]  }
0xac: {  	v1 =	vld [tilespmem:s0+$0xF0]  }
0xad: {  	v2 =	vld [tilespmem:s0+$0x70]  }
0xae: {  	v3 =	vld [tilespmem:s0+$0xFFFFFFF0];
	_ =	sdelay $0x4  }
0xaf: {  	v1 =	vadd.f32 v1, v2;
	v0 =	vadd.f32 v3, v0  }
0xb0: {  	s12 =	sshll.u32 s29, $0xE  }
0xb1: {  	s0 =	sadd.s32 s6, s12;
	v0 =	vadd.f32 v1, v0  }
0xb2: {  	s0 =	sshrl.u32 s0, $0x3  }
0xb3: {  	p1 =	seq.s32 s29, $0xB;
	s0 =	sadd.s32 s4, s0;
	[tilespmem:s2+$0x11870] =	vst v0  }
0xb4: {  	[hbm4b:s0+s3] =	stream.linear.scatter [tilespmem:s22], [sflag:$0x3], $0x2000, $0x38;
	[tilespmem:$0x15800] =	vst v63  }
0xb5: {  	s0 =	sshll.u32 @!p1 s29, $0x9  }
0xb6: {  	s0 =	sand.u32 @!p1 $0x3FFFFE00, s0  }
0xb7: {  	s9 =	simm.s32 @!p1 $0x40;
	s12 =	simm.s32 @!p1 $0x1800;
	s2 =	sadd.s32 @!p1 $0x200, s0  }
0xb8: {  	[tilespmem:s12], [sflag:$0x1] =	stream.indirect.gather @!p1 [hbm4b:s1+s9], $0x80, s2, s9, $0xb8;
	[tilespmem:$0x15800] =	vst v63  }
0xb9: {  	s2 =	sadd.s32 @!p1 $0x240, s0;
	s12 =	simm.s32 @!p1 $0x3800  }
0xba: {  	[tilespmem:s12], [sflag:$0x1] =	stream.indirect.gather @!p1 [hbm4b:s1+s9], $0x80, s2, s9, $0xb8;
	[tilespmem:$0x15800] =	vst v63  }
0xbb: {  	s2 =	sadd.s32 @!p1 $0x280, s0;
	s12 =	simm.s32 @!p1 $0x5800  }
0xbc: {  	[tilespmem:s12], [sflag:$0x1] =	stream.indirect.gather @!p1 [hbm4b:s1+s9], $0x80, s2, s9, $0xb8;
	[tilespmem:$0x15800] =	vst v63  }
0xbd: {  	s0 =	sadd.s32 @!p1 $0x2C0, s0;
	s2 =	simm.s32 @!p1 $0x7800  }
0xbe: {  	[tilespmem:s2], [sflag:$0x1] =	stream.indirect.gather @!p1 [hbm4b:s1+s9], $0x80, s0, s9, $0xb8;
	[tilespmem:$0x15800] =	vst v63  }
0xbf: {  	_ =	swait.ge [sflag:s23], $0x2000  }
0xc0: {  	[sflag:s23] =	ssyncset.done $0x0  }
0xc1: {  	[sflag:s23] =	ssyncadd.s32 $0xFFFFE000  }
0xc2: {  	_ =	swait.ge [sflag:s23], $0x2000  }
0xc3: {  	[sflag:s23] =	ssyncset.done $0x0  }
0xc4: {  	[sflag:s23] =	ssyncadd.s32 $0xFFFFE000  }
0xc5: {  	_ =	swait.ge [sflag:s23], $0x2000  }
0xc6: {  	[sflag:s23] =	ssyncset.done $0x0  }
0xc7: {  	[sflag:s23] =	ssyncadd.s32 $0xFFFFE000  }
0xc8: {  	_ =	swait.ge [sflag:s23], $0x2000  }
0xc9: {  	[sflag:s23] =	ssyncset.done $0x0  }
0xca: {  	s0 =	simm.s32 @!p0 $0x4;
	[sflag:s23] =	ssyncadd.s32 $0xFFFFE000  }
0xcb: {  	_ =	swait.ge @!p0 [sflag:s0], $0x2000  }
0xcc: {  	[sflag:s0] =	ssyncset.done @!p0 $0x0  }
0xcd: {  	s31 =	simm.s32 $0x9900;
	[sflag:s0] =	ssyncadd.s32 @!p0 $0xFFFFE000  }
0xce: {  	v0 =	vld [tilespmem:s31+$0xFFFFFF00]  }
0xcf: {  	v1 =	vld [tilespmem:s31+$0x80]  }
0xd0: {  	v2 =	vld [tilespmem:s31+$0x0]  }
0xd1: {  	v3 =	vld [tilespmem:s31+$0xFFFFFF80];
	_ =	sdelay $0x4  }
0xd2: {  	v1 =	vadd.f32 v1, v2;
	v0 =	vadd.f32 v3, v0;
	_ =	sdelay $0x1  }
0xd3: {  	v0 =	vadd.f32 v1, v0  }
0xd4: {  	s2 =	simm.s32 $0x0  }
0xd5: {  	[tilespmem:s2+$0x13800] =	vst v0  }
0xd6: {  	v0 =	vld [tilespmem:s31+$0x90]  }
0xd7: {  	v1 =	vld [tilespmem:s31+$0xFFFFFF90]  }
0xd8: {  	v2 =	vld [tilespmem:s31+$0x10]  }
0xd9: {  	v3 =	vld [tilespmem:s31+$0xFFFFFF10];
	_ =	sdelay $0x4  }
0xda: {  	v0 =	vadd.f32 v0, v2;
	v1 =	vadd.f32 v1, v3;
	_ =	sdelay $0x1  }
0xdb: {  	v0 =	vadd.f32 v0, v1;
	_ =	sdelay $0x1  }
0xdc: {  	[tilespmem:s2+$0x13810] =	vst v0  }
0xdd: {  	v0 =	vld [tilespmem:s31+$0xFFFFFF20]  }
0xde: {  	v1 =	vld [tilespmem:s31+$0xFFFFFFA0]  }
0xdf: {  	v2 =	vld [tilespmem:s31+$0xA0]  }
0xe0: {  	v3 =	vld [tilespmem:s31+$0x20];
	_ =	sdelay $0x4  }
0xe1: {  	v0 =	vadd.f32 v1, v0;
	v1 =	vadd.f32 v2, v3;
	_ =	sdelay $0x1  }
0xe2: {  	v0 =	vadd.f32 v1, v0;
	_ =	sdelay $0x1  }
0xe3: {  	[tilespmem:s2+$0x13820] =	vst v0  }
0xe4: {  	v0 =	vld [tilespmem:s31+$0xB0]  }
0xe5: {  	v1 =	vld [tilespmem:s31+$0xFFFFFFB0]  }
0xe6: {  	v2 =	vld [tilespmem:s31+$0xFFFFFF30]  }
0xe7: {  	v3 =	vld [tilespmem:s31+$0x30];
	_ =	sdelay $0x4  }
0xe8: {  	v1 =	vadd.f32 v1, v2;
	v0 =	vadd.f32 v0, v3;
	_ =	sdelay $0x1  }
0xe9: {  	v0 =	vadd.f32 v0, v1;
	_ =	sdelay $0x1  }
0xea: {  	[tilespmem:s2+$0x13830] =	vst v0  }
0xeb: {  	v0 =	vld [tilespmem:s31+$0xC0]  }
0xec: {  	v1 =	vld [tilespmem:s31+$0xFFFFFFC0]  }
0xed: {  	v2 =	vld [tilespmem:s31+$0x40]  }
0xee: {  	v3 =	vld [tilespmem:s31+$0xFFFFFF40];
	_ =	sdelay $0x4  }
0xef: {  	v0 =	vadd.f32 v0, v2;
	v1 =	vadd.f32 v1, v3;
	_ =	sdelay $0x1  }
0xf0: {  	v0 =	vadd.f32 v0, v1;
	_ =	sdelay $0x1  }
0xf1: {  	[tilespmem:s2+$0x13840] =	vst v0  }
0xf2: {  	v0 =	vld [tilespmem:s31+$0xFFFFFFD0]  }
0xf3: {  	v1 =	vld [tilespmem:s31+$0xFFFFFF50]  }
0xf4: {  	v2 =	vld [tilespmem:s31+$0xD0]  }
0xf5: {  	v3 =	vld [tilespmem:s31+$0x50];
	_ =	sdelay $0x4  }
0xf6: {  	v0 =	vadd.f32 v0, v1;
	v1 =	vadd.f32 v2, v3;
	_ =	sdelay $0x1  }
0xf7: {  	v0 =	vadd.f32 v1, v0;
	_ =	sdelay $0x1  }
0xf8: {  	[tilespmem:s2+$0x13850] =	vst v0  }
0xf9: {  	v0 =	vld [tilespmem:s31+$0xE0]  }
0xfa: {  	v1 =	vld [tilespmem:s31+$0xFFFFFFE0]  }
0xfb: {  	v2 =	vld [tilespmem:s31+$0xFFFFFF60]  }
0xfc: {  	s9 =	simm.s32 $0x200;
	s0 =	simm.s32 $0x9900;
	v3 =	vld [tilespmem:s31+$0x60]  }
.LBB2_5:
0xfd: {  	p0 =	sne.s32 s9, $0x7E00  }
0xfe: {  	s31 =	sadd.s32 $0x200, s31;
	s12 =	smov.u32 s9;
	s9 =	sadd.s32 $0x200, s9  }
0xff: {  	_ =	sdelay $0x1  }
0x100: {  	v1 =	vadd.f32 v1, v2  }
0x101: {  	v0 =	vadd.f32 v0, v3;
	_ =	sdelay $0x1  }
0x102: {  	v0 =	vadd.f32 v0, v1;
	_ =	sdelay $0x1  }
0x103: {  	[tilespmem:s2+$0x13860] =	vst v0  }
0x104: {  	v0 =	vld [tilespmem:s0+$0xFFFFFF70]  }
0x105: {  	v1 =	vld [tilespmem:s0+$0xF0]  }
0x106: {  	v2 =	vld [tilespmem:s0+$0x70]  }
0x107: {  	v3 =	vld [tilespmem:s0+$0xFFFFFFF0];
	s0 =	smov.u32 s31;
	_ =	sdelay $0x3  }
0x108: {  	v1 =	vadd.f32 v1, v2  }
0x109: {  	v0 =	vadd.f32 v3, v0;
	_ =	sdelay $0x1  }
0x10a: {  	v0 =	vadd.f32 v1, v0;
	_ =	sdelay $0x1  }
0x10b: {  	[tilespmem:s2+$0x13870] =	vst v0  }
0x10c: {  	v0 =	vld [tilespmem:s31+$0xFFFFFF00]  }
0x10d: {  	v1 =	vld [tilespmem:s31+$0x80]  }
0x10e: {  	v2 =	vld [tilespmem:s31+$0x0]  }
0x10f: {  	v3 =	vld [tilespmem:s31+$0xFFFFFF80];
	_ =	sdelay $0x3  }
0x110: {  	v1 =	vadd.f32 v1, v2  }
0x111: {  	v0 =	vadd.f32 v3, v0;
	_ =	sdelay $0x1  }
0x112: {  	v0 =	vadd.f32 v1, v0  }
0x113: {  	s2 =	sshra.s32 s12, $0x2  }
0x114: {  	[tilespmem:s2+$0x13800] =	vst v0  }
0x115: {  	v0 =	vld [tilespmem:s31+$0x90]  }
0x116: {  	v1 =	vld [tilespmem:s31+$0xFFFFFF90]  }
0x117: {  	v2 =	vld [tilespmem:s31+$0x10]  }
0x118: {  	v3 =	vld [tilespmem:s31+$0xFFFFFF10];
	_ =	sdelay $0x3  }
0x119: {  	v0 =	vadd.f32 v0, v2  }
0x11a: {  	v1 =	vadd.f32 v1, v3;
	_ =	sdelay $0x1  }
0x11b: {  	v0 =	vadd.f32 v0, v1;
	_ =	sdelay $0x1  }
0x11c: {  	[tilespmem:s2+$0x13810] =	vst v0  }
0x11d: {  	v0 =	vld [tilespmem:s31+$0xFFFFFF20]  }
0x11e: {  	v1 =	vld [tilespmem:s31+$0xFFFFFFA0]  }
0x11f: {  	v2 =	vld [tilespmem:s31+$0xA0]  }
0x120: {  	v3 =	vld [tilespmem:s31+$0x20];
	_ =	sdelay $0x2  }
0x121: {  	v0 =	vadd.f32 v1, v0;
	_ =	sdelay $0x1  }
0x122: {  	v1 =	vadd.f32 v2, v3;
	_ =	sdelay $0x1  }
0x123: {  	v0 =	vadd.f32 v1, v0;
	_ =	sdelay $0x1  }
0x124: {  	[tilespmem:s2+$0x13820] =	vst v0  }
0x125: {  	v0 =	vld [tilespmem:s31+$0xB0]  }
0x126: {  	v1 =	vld [tilespmem:s31+$0xFFFFFFB0]  }
0x127: {  	v2 =	vld [tilespmem:s31+$0xFFFFFF30]  }
0x128: {  	v3 =	vld [tilespmem:s31+$0x30];
	_ =	sdelay $0x3  }
0x129: {  	v1 =	vadd.f32 v1, v2  }
0x12a: {  	v0 =	vadd.f32 v0, v3;
	_ =	sdelay $0x1  }
0x12b: {  	v0 =	vadd.f32 v0, v1;
	_ =	sdelay $0x1  }
0x12c: {  	[tilespmem:s2+$0x13830] =	vst v0  }
0x12d: {  	v0 =	vld [tilespmem:s31+$0xC0]  }
0x12e: {  	v1 =	vld [tilespmem:s31+$0xFFFFFFC0]  }
0x12f: {  	v2 =	vld [tilespmem:s31+$0x40]  }
0x130: {  	v3 =	vld [tilespmem:s31+$0xFFFFFF40];
	_ =	sdelay $0x3  }
0x131: {  	v0 =	vadd.f32 v0, v2  }
0x132: {  	v1 =	vadd.f32 v1, v3;
	_ =	sdelay $0x1  }
0x133: {  	v0 =	vadd.f32 v0, v1;
	_ =	sdelay $0x1  }
0x134: {  	[tilespmem:s2+$0x13840] =	vst v0  }
0x135: {  	v0 =	vld [tilespmem:s31+$0xFFFFFFD0]  }
0x136: {  	v1 =	vld [tilespmem:s31+$0xFFFFFF50]  }
0x137: {  	v2 =	vld [tilespmem:s31+$0xD0]  }
0x138: {  	v3 =	vld [tilespmem:s31+$0x50];
	_ =	sdelay $0x2  }
0x139: {  	v0 =	vadd.f32 v0, v1;
	_ =	sdelay $0x1  }
0x13a: {  	v1 =	vadd.f32 v2, v3;
	_ =	sdelay $0x1  }
0x13b: {  	v0 =	vadd.f32 v1, v0;
	_ =	sdelay $0x1  }
.Ltmp1:
0x13c: {  	[tilespmem:s2+$0x13850] =	vst v0;
	(pc) =	sbr.rel @p0 .LBB2_5-.Ltmp1, $4  }
0x13d: {  	v0 =	vld [tilespmem:s31+$0xE0]  }
0x13e: {  	v1 =	vld [tilespmem:s31+$0xFFFFFFE0]  }
0x13f: {  	v2 =	vld [tilespmem:s31+$0xFFFFFF60]  }
0x140: {  	v3 =	vld [tilespmem:s31+$0x60]  }
0x141: {  	_ =	sdelay $0x3  }
0x142: {  	v1 =	vadd.f32 v1, v2;
	v0 =	vadd.f32 v0, v3;
	_ =	sdelay $0x1  }
0x143: {  	v0 =	vadd.f32 v0, v1;
	_ =	sdelay $0x1  }
0x144: {  	[tilespmem:s2+$0x13860] =	vst v0  }
0x145: {  	v0 =	vld [tilespmem:s0+$0xFFFFFF70]  }
0x146: {  	v61 =	vld [tilespmem:s0+$0xF0]  }
0x147: {  	v62 =	vld [tilespmem:s0+$0x70]  }
0x148: {  	v63 =	vld [tilespmem:s0+$0xFFFFFFF0];
	_ =	sdelay $0x3  }
0x149: {  	s29 =	sadd.s32 $0x1, s29  }
0x14a: {  	p0 =	sne.s32 s29, $0xC;
	v1 =	vadd.f32 v61, v62;
	v0 =	vadd.f32 v63, v0  }
.Ltmp2:
0x14b: {  	s31 =	sshll.u32 s30, $0xD;
	(pc) =	sbr.rel @p0 .LBB2_2-.Ltmp2, $4  }
0x14c: {  	s0 =	sadd.s32 s6, s31;
	v0 =	vadd.f32 v1, v0  }
0x14d: {  	s0 =	sshrl.u32 s0, $0x3  }
0x14e: {  	s0 =	sadd.s32 s4, s0;
	[tilespmem:s2+$0x13870] =	vst v0  }
0x14f: {  	[hbm4b:s0+s3] =	stream.linear.scatter [tilespmem:s24], [sflag:$0x4], $0x2000, $0x38;
	[tilespmem:$0x15800] =	vst v63  }
0x150: {  	s28 =	sadd.s32 $0x1, s28  }
0x151: {  	_ =	swait.ge [sflag:s25], $0x2000;
	p0 =	sne.s32 s28, s7  }
.Ltmp3:
0x152: {  	[sflag:s25] =	ssyncset.done $0x0;
	(pc) =	sbr.rel @p0 .LBB2_1-.Ltmp3, $4  }
0x153: {  	[sflag:s25] =	ssyncadd.s32 $0xFFFFE000  }
0x154: {  	_ =	swait.ge [sflag:s26], $0x2000  }
0x155: {  	[sflag:s26] =	ssyncset.done $0x0  }
0x156: {  	[sflag:s26] =	ssyncadd.s32 $0xFFFFE000  }
0x157: {  	_ =	sfence.sel $0x180000  }
0x158: {  	[bflag:$0x0] =	sbarrier.arrive $0xFFFF  }
0x159: {  	_ =	strace $0x90000047  }
0x15a: {  	s0 =	stileid.u32;
	[bflag:$0x2] =	sbarrier.arrive $0xFFFF  }
0x15b: {  	p0 =	sne.s32 s0, $0x0;
	s0 =	rddreg [dreg:$0x3]  }
0x15c: {  	s0 =	sadd.s32 @!p0 $0x100000, s0  }
0x15d: {  	[sflag:s0] =	ssyncadd.tile.s32 @!p0 $0x1;
	_ =	shalt  }
.Lfunc_end2:
_tile_overlayer_lowered:
.L_overlay_start_2:
0x15e: {  	(tag) =	ssettag $0x2  }
0x15f: {  	s0 =	rddreg [dreg:$0x0];
	s2 =	stileid.u32  }
0x160: {  	s1 =	rddreg [dreg:$0x1];
	p0 =	sne.s32 s2, $0x0  }
0x161: {  	s3 =	rddreg [dreg:$0x2];
	[bflag:$0x3] =	sbarrier.arrive $0xFFFF;
	s2 =	simm.s32 @!p0 $0x1C05  }
0x162: {  	[timem:s3], [sflag:s2] =	dma.local @!p0 [hbm:s0], s1  }
0x163: {  	s0 =	simm.s32 @!p0 $0x5  }
0x164: {  	_ =	swait.ge @!p0 [sflag:s0], s1  }
0x165: {  	s1 =	ssub.s32 @!p0 $0x0, s1;
	[sflag:s0] =	ssyncset.done @!p0 $0x0  }
0x166: {  	[sflag:s0] =	ssyncadd.s32 @!p0 s1  }
0x167: {  	[bflag:$0x3] =	sbarrier.arrive $0xFFFF  }
0x168: {  	_ =	shalt  }

</sc_bundles>
